<compile_context>
chip_gen: v7x
topology: tpu7x:2x2x1
jax: 0.10.2.dev20260603
libtpu: 0.0.44.dev20260713+nightly
codegen_flags: <defaults>
</compile_context>

<pallas_src>
import functools

import jax
import jax.numpy as jnp
from jax import lax
from jax.experimental import pallas as pl
from jax.experimental.pallas import tpu as pltpu
from jax.experimental.pallas import tpu_sc as plsc

AXIAL_COLS = 64
HALF = 512
NUM_CORES = 2
NUM_SUBCORES = 16
NUM_WORKERS = NUM_CORES * NUM_SUBCORES
LANES = 16


def kernel(input_ids, row_emb, col_emb):
    seq = input_ids.shape[1]
    num_blocks = seq // AXIAL_COLS
    blocks_per_w = num_blocks // NUM_WORKERS

    rows_per_w = blocks_per_w * AXIAL_COLS

    mesh = plsc.VectorSubcoreMesh(core_axis_name="c", subcore_axis_name="s")

    @functools.partial(
        pl.kernel,
        mesh=mesh,
        out_type=jax.ShapeDtypeStruct((seq, 2 * HALF), jnp.float32),
        scratch_types=[
            pltpu.VMEM((blocks_per_w, HALF), jnp.float32),
            pltpu.VMEM((rows_per_w, HALF), jnp.float32),
            pltpu.VMEM_SHARED((AXIAL_COLS, HALF), jnp.float32),
            pltpu.SemaphoreType.DMA,
            pltpu.SemaphoreType.DMA,
        ],
    )
    def _axial(row_hbm, col_hbm, out_hbm, pair_v, rows_v, col_sp, sem_g, sem_w):
        sid = lax.axis_index("s")
        wid = sid * NUM_CORES + lax.axis_index("c")
        base = wid * rows_per_w
        seed = pltpu.async_copy(
            row_hbm.at[pl.ds(wid * blocks_per_w, blocks_per_w)], pair_v, sem_g
        )
        @pl.when(sid == 0)
        def _stage():
            pltpu.sync_copy(col_hbm, col_sp)

        plsc.subcore_barrier()
        ws = [
            pltpu.async_copy(
                col_sp,
                out_hbm.at[
                    pl.ds(base + j * AXIAL_COLS, AXIAL_COLS), pl.ds(HALF, HALF)
                ],
                sem_w,
            )
            for j in range(blocks_per_w)
        ]
        seed.wait()
        for j in range(blocks_per_w):
            vs = [pair_v[j, pl.ds(c * LANES, LANES)] for c in range(HALF // LANES)]

            def body(k, carry, j=j, vs=vs):
                for c in range(HALF // LANES):
                    rows_v[j * AXIAL_COLS + k, pl.ds(c * LANES, LANES)] = vs[c]
                return carry

            lax.fori_loop(0, AXIAL_COLS, body, 0)
            ws.append(
                pltpu.async_copy(
                    rows_v.at[pl.ds(j * AXIAL_COLS, AXIAL_COLS)],
                    out_hbm.at[pl.ds(base + j * AXIAL_COLS, AXIAL_COLS), pl.ds(0, HALF)],
                    sem_w,
                )
            )
        for w in ws:
            w.wait()

    return _axial(row_emb, col_emb)

# --- scband reference (transcript-rebuilt; emitter-appended) ---
"""Pipeline reference for scband-axial-positional-embedding-20624432955921 (READ-ONLY COPY).

The authoritative reference and input builder live on the scoring server;
editing this copy changes nothing except your own understanding.
"""

import jax, jax.numpy as jnp
import numpy as np

AXIAL_ROWS = 64
AXIAL_COLS = 64
HIDDEN = 1024
BATCH = 4
SEQ = 4096

def setup_inputs(seed: int = 0) -> dict:
    key = jax.random.key(seed)
    k1, k2, k3 = jax.random.split(key, 3)
    input_ids = jax.random.randint(k1, (BATCH, SEQ), 0, 32000, dtype=jnp.int32)
    row_emb = jax.random.normal(k2, (AXIAL_ROWS, HIDDEN // 2), dtype=jnp.float32)
    col_emb = jax.random.normal(k3, (AXIAL_COLS, HIDDEN - HIDDEN // 2), dtype=jnp.float32)
    return {"input_ids": input_ids, "row_emb": row_emb, "col_emb": col_emb}

def reference(input_ids, row_emb, col_emb):
    seq_length = input_ids.shape[1]
    pos = jnp.arange(seq_length, dtype=jnp.int32)
    row_ids = pos // AXIAL_COLS
    col_ids = pos % AXIAL_COLS
    row_e = jnp.take(row_emb, row_ids, axis=0)
    col_e = jnp.take(col_emb, col_ids, axis=0)
    return jnp.concatenate([row_e, col_e], axis=-1)

if __name__ == "__main__":
    import jax
    _d = setup_inputs()
    print(jax.jit(kernel)(*tuple(_d.values())))

</pallas_src>

<mosaic_0001>
#map = affine_map<(d0, d1) -> (0, 0)>
module attributes {stable_mosaic.version = 14 : i64} {
  func.func @_axial(%arg0: i32, %arg1: i32, %arg2: memref<64x512xf32, #tpu.memory_space<hbm>>, %arg3: memref<64x512xf32, #tpu.memory_space<hbm>>, %arg4: memref<4096x1024xf32, #tpu.memory_space<hbm>>, %arg5: memref<2x512xf32, #tpu.memory_space<vmem>>, %arg6: memref<128x512xf32, #tpu.memory_space<vmem>>, %arg7: memref<64x512xf32, #tpu.memory_space<vmem_shared>>, %arg8: memref<!tpu.dma_semaphore, #tpu.memory_space<semaphore_mem>>, %arg9: memref<!tpu.dma_semaphore, #tpu.memory_space<semaphore_mem>>) attributes {dimension_semantics = [#tpu.dimension_semantics<core_parallel>, #tpu.dimension_semantics<subcore_parallel>], iteration_bounds = array<i64: 2, 16>, scalar_prefetch = 0 : i64, scratch_operands = 5 : i64, tpu.core_type = #tpu.core_type<sc_vector_subcore>, window_params = [{transform_indices = #map}, {transform_indices = #map}, {transform_indices = #map}]} {
    %mul3A = arith.constant 2 : i32
    %mul3A_0 = arith.muli %arg1, %mul3A : i32
    %add3A = arith.addi %mul3A_0, %arg0 : i32
    %mul3A_1 = arith.constant 128 : i32
    %mul3A_2 = arith.muli %add3A, %mul3A_1 : i32
    %mul3A_3 = arith.constant 2 : i32
    %mul3A_4 = arith.muli %add3A, %mul3A_3 : i32
    %dma_start3A = arith.constant 0 : i32
    %dma_start3A_5 = tpu.memref_slice %arg2[%mul3A_4, %dma_start3A] : memref<64x512xf32, #tpu.memory_space<hbm>> -> memref<2x512xf32, #tpu.memory_space<hbm>>
    %dma_start3A_6 = arith.constant 0 : i32
    %dma_start3A_7 = tpu.memref_slice %arg2[%mul3A_4, %dma_start3A_6] : memref<64x512xf32, #tpu.memory_space<hbm>> -> memref<2x512xf32, #tpu.memory_space<hbm>>
    tpu.enqueue_dma source(%dma_start3A_7 : memref<2x512xf32, #tpu.memory_space<hbm>>) target(%arg5 : memref<2x512xf32, #tpu.memory_space<vmem>>) target_semaphore(%arg8 : memref<!tpu.dma_semaphore, #tpu.memory_space<semaphore_mem>>)
    %eq3A = arith.constant 0 : i32
    %eq3A_8 = arith.cmpi eq, %arg1, %eq3A : i32
    %convert_element_type3A = arith.extui %eq3A_8 : i1 to i32
    %cond3A = arith.constant 0 : i32
    %cond3A_9 = arith.cmpi ne, %convert_element_type3A, %cond3A : i32
    scf.if %cond3A_9 {
      "tpu.region"() ({
        %run_scoped3A = tpu.sem_alloc : memref<!tpu.dma_semaphore, #tpu.memory_space<semaphore_mem>>
        tpu.enqueue_dma source(%arg3 : memref<64x512xf32, #tpu.memory_space<hbm>>) target(%arg7 : memref<64x512xf32, #tpu.memory_space<vmem_shared>>) target_semaphore(%run_scoped3A : memref<!tpu.dma_semaphore, #tpu.memory_space<semaphore_mem>>)
        tpu.wait_dma2 semaphore(%run_scoped3A : memref<!tpu.dma_semaphore, #tpu.memory_space<semaphore_mem>>) src(%arg3 : memref<64x512xf32, #tpu.memory_space<hbm>>) dst(%arg7 : memref<64x512xf32, #tpu.memory_space<vmem_shared>>)
        tpu.yield
      }) : () -> ()
    } else {
    }
    %barrier3A = arith.constant 0 : index
    tpu.barrier barrier_id(%barrier3A)
    %add3A_10 = arith.constant 0 : i32
    %add3A_11 = arith.addi %mul3A_2, %add3A_10 : i32
    %dma_start3A_12 = arith.constant 512 : i32
    %dma_start3A_13 = tpu.memref_slice %arg4[%add3A_11, %dma_start3A_12] : memref<4096x1024xf32, #tpu.memory_space<hbm>> -> memref<64x512xf32, #tpu.memory_space<hbm>>
    tpu.enqueue_dma source(%arg7 : memref<64x512xf32, #tpu.memory_space<vmem_shared>>) target(%dma_start3A_13 : memref<64x512xf32, #tpu.memory_space<hbm>>) target_semaphore(%arg9 : memref<!tpu.dma_semaphore, #tpu.memory_space<semaphore_mem>>)
    %add3A_14 = arith.constant 64 : i32
    %add3A_15 = arith.addi %mul3A_2, %add3A_14 : i32
    %dma_start3A_16 = arith.constant 512 : i32
    %dma_start3A_17 = tpu.memref_slice %arg4[%add3A_15, %dma_start3A_16] : memref<4096x1024xf32, #tpu.memory_space<hbm>> -> memref<64x512xf32, #tpu.memory_space<hbm>>
    tpu.enqueue_dma source(%arg7 : memref<64x512xf32, #tpu.memory_space<vmem_shared>>) target(%dma_start3A_17 : memref<64x512xf32, #tpu.memory_space<hbm>>) target_semaphore(%arg9 : memref<!tpu.dma_semaphore, #tpu.memory_space<semaphore_mem>>)
    %dma_wait3A = arith.constant 0 : i32
    %dma_wait3A_18 = tpu.memref_slice %arg2[%mul3A_4, %dma_wait3A] : memref<64x512xf32, #tpu.memory_space<hbm>> -> memref<2x512xf32, #tpu.memory_space<hbm>>
    %dma_wait3A_19 = arith.constant 0 : i32
    %dma_wait3A_20 = tpu.memref_slice %arg2[%mul3A_4, %dma_wait3A_19] : memref<64x512xf32, #tpu.memory_space<hbm>> -> memref<2x512xf32, #tpu.memory_space<hbm>>
    tpu.wait_dma2 semaphore(%arg8 : memref<!tpu.dma_semaphore, #tpu.memory_space<semaphore_mem>>) src(%dma_wait3A_20 : memref<2x512xf32, #tpu.memory_space<hbm>>) dst(%arg5 : memref<2x512xf32, #tpu.memory_space<vmem>>)
    %get3A = arith.constant 0 : i32
    %get3A_21 = arith.index_cast %get3A : i32 to index
    %get3A_22 = arith.constant 0 : index
    %get3A_23 = tpu.vector_load %arg5[%get3A_21, %get3A_22] {strides = array<i32>} : memref<2x512xf32, #tpu.memory_space<vmem>>, vector<1x16xf32>,
    %get3A_24 = vector.shape_cast %get3A_23 : vector<1x16xf32> to vector<16xf32>
    %get3A_25 = arith.constant 0 : i32
    %get3A_26 = arith.index_cast %get3A_25 : i32 to index
    %get3A_27 = arith.constant 16 : index
    %get3A_28 = tpu.vector_load %arg5[%get3A_26, %get3A_27] {strides = array<i32>} : memref<2x512xf32, #tpu.memory_space<vmem>>, vector<1x16xf32>,
    %get3A_29 = vector.shape_cast %get3A_28 : vector<1x16xf32> to vector<16xf32>
    %get3A_30 = arith.constant 0 : i32
    %get3A_31 = arith.index_cast %get3A_30 : i32 to index
    %get3A_32 = arith.constant 32 : index
    %get3A_33 = tpu.vector_load %arg5[%get3A_31, %get3A_32] {strides = array<i32>} : memref<2x512xf32, #tpu.memory_space<vmem>>, vector<1x16xf32>,
    %get3A_34 = vector.shape_cast %get3A_33 : vector<1x16xf32> to vector<16xf32>
    %get3A_35 = arith.constant 0 : i32
    %get3A_36 = arith.index_cast %get3A_35 : i32 to index
    %get3A_37 = arith.constant 48 : index
    %get3A_38 = tpu.vector_load %arg5[%get3A_36, %get3A_37] {strides = array<i32>} : memref<2x512xf32, #tpu.memory_space<vmem>>, vector<1x16xf32>,
    %get3A_39 = vector.shape_cast %get3A_38 : vector<1x16xf32> to vector<16xf32>
    %get3A_40 = arith.constant 0 : i32
    %get3A_41 = arith.index_cast %get3A_40 : i32 to index
    %get3A_42 = arith.constant 64 : index
    %get3A_43 = tpu.vector_load %arg5[%get3A_41, %get3A_42] {strides = array<i32>} : memref<2x512xf32, #tpu.memory_space<vmem>>, vector<1x16xf32>,
    %get3A_44 = vector.shape_cast %get3A_43 : vector<1x16xf32> to vector<16xf32>
    %get3A_45 = arith.constant 0 : i32
    %get3A_46 = arith.index_cast %get3A_45 : i32 to index
    %get3A_47 = arith.constant 80 : index
    %get3A_48 = tpu.vector_load %arg5[%get3A_46, %get3A_47] {strides = array<i32>} : memref<2x512xf32, #tpu.memory_space<vmem>>, vector<1x16xf32>,
    %get3A_49 = vector.shape_cast %get3A_48 : vector<1x16xf32> to vector<16xf32>
    %get3A_50 = arith.constant 0 : i32
    %get3A_51 = arith.index_cast %get3A_50 : i32 to index
    %get3A_52 = arith.constant 96 : index
    %get3A_53 = tpu.vector_load %arg5[%get3A_51, %get3A_52] {strides = array<i32>} : memref<2x512xf32, #tpu.memory_space<vmem>>, vector<1x16xf32>,
    %get3A_54 = vector.shape_cast %get3A_53 : vector<1x16xf32> to vector<16xf32>
    %get3A_55 = arith.constant 0 : i32
    %get3A_56 = arith.index_cast %get3A_55 : i32 to index
    %get3A_57 = arith.constant 112 : index
    %get3A_58 = tpu.vector_load %arg5[%get3A_56, %get3A_57] {strides = array<i32>} : memref<2x512xf32, #tpu.memory_space<vmem>>, vector<1x16xf32>,
    %get3A_59 = vector.shape_cast %get3A_58 : vector<1x16xf32> to vector<16xf32>
    %get3A_60 = arith.constant 0 : i32
    %get3A_61 = arith.index_cast %get3A_60 : i32 to index
    %get3A_62 = arith.constant 128 : index
    %get3A_63 = tpu.vector_load %arg5[%get3A_61, %get3A_62] {strides = array<i32>} : memref<2x512xf32, #tpu.memory_space<vmem>>, vector<1x16xf32>,
    %get3A_64 = vector.shape_cast %get3A_63 : vector<1x16xf32> to vector<16xf32>
    %get3A_65 = arith.constant 0 : i32
    %get3A_66 = arith.index_cast %get3A_65 : i32 to index
    %get3A_67 = arith.constant 144 : index
    %get3A_68 = tpu.vector_load %arg5[%get3A_66, %get3A_67] {strides = array<i32>} : memref<2x512xf32, #tpu.memory_space<vmem>>, vector<1x16xf32>,
    %get3A_69 = vector.shape_cast %get3A_68 : vector<1x16xf32> to vector<16xf32>
    %get3A_70 = arith.constant 0 : i32
    %get3A_71 = arith.index_cast %get3A_70 : i32 to index
    %get3A_72 = arith.constant 160 : index
    %get3A_73 = tpu.vector_load %arg5[%get3A_71, %get3A_72] {strides = array<i32>} : memref<2x512xf32, #tpu.memory_space<vmem>>, vector<1x16xf32>,
    %get3A_74 = vector.shape_cast %get3A_73 : vector<1x16xf32> to vector<16xf32>
    %get3A_75 = arith.constant 0 : i32
    %get3A_76 = arith.index_cast %get3A_75 : i32 to index
    %get3A_77 = arith.constant 176 : index
    %get3A_78 = tpu.vector_load %arg5[%get3A_76, %get3A_77] {strides = array<i32>} : memref<2x512xf32, #tpu.memory_space<vmem>>, vector<1x16xf32>,
    %get3A_79 = vector.shape_cast %get3A_78 : vector<1x16xf32> to vector<16xf32>
    %get3A_80 = arith.constant 0 : i32
    %get3A_81 = arith.index_cast %get3A_80 : i32 to index
    %get3A_82 = arith.constant 192 : index
    %get3A_83 = tpu.vector_load %arg5[%get3A_81, %get3A_82] {strides = array<i32>} : memref<2x512xf32, #tpu.memory_space<vmem>>, vector<1x16xf32>,
    %get3A_84 = vector.shape_cast %get3A_83 : vector<1x16xf32> to vector<16xf32>
    %get3A_85 = arith.constant 0 : i32
    %get3A_86 = arith.index_cast %get3A_85 : i32 to index
    %get3A_87 = arith.constant 208 : index
    %get3A_88 = tpu.vector_load %arg5[%get3A_86, %get3A_87] {strides = array<i32>} : memref<2x512xf32, #tpu.memory_space<vmem>>, vector<1x16xf32>,
    %get3A_89 = vector.shape_cast %get3A_88 : vector<1x16xf32> to vector<16xf32>
    %get3A_90 = arith.constant 0 : i32
    %get3A_91 = arith.index_cast %get3A_90 : i32 to index
    %get3A_92 = arith.constant 224 : index
    %get3A_93 = tpu.vector_load %arg5[%get3A_91, %get3A_92] {strides = array<i32>} : memref<2x512xf32, #tpu.memory_space<vmem>>, vector<1x16xf32>,
    %get3A_94 = vector.shape_cast %get3A_93 : vector<1x16xf32> to vector<16xf32>
    %get3A_95 = arith.constant 0 : i32
    %get3A_96 = arith.index_cast %get3A_95 : i32 to index
    %get3A_97 = arith.constant 240 : index
    %get3A_98 = tpu.vector_load %arg5[%get3A_96, %get3A_97] {strides = array<i32>} : memref<2x512xf32, #tpu.memory_space<vmem>>, vector<1x16xf32>,
    %get3A_99 = vector.shape_cast %get3A_98 : vector<1x16xf32> to vector<16xf32>
    %get3A_100 = arith.constant 0 : i32
    %get3A_101 = arith.index_cast %get3A_100 : i32 to index
    %get3A_102 = arith.constant 256 : index
    %get3A_103 = tpu.vector_load %arg5[%get3A_101, %get3A_102] {strides = array<i32>} : memref<2x512xf32, #tpu.memory_space<vmem>>, vector<1x16xf32>,
    %get3A_104 = vector.shape_cast %get3A_103 : vector<1x16xf32> to vector<16xf32>
    %get3A_105 = arith.constant 0 : i32
    %get3A_106 = arith.index_cast %get3A_105 : i32 to index
    %get3A_107 = arith.constant 272 : index
    %get3A_108 = tpu.vector_load %arg5[%get3A_106, %get3A_107] {strides = array<i32>} : memref<2x512xf32, #tpu.memory_space<vmem>>, vector<1x16xf32>,
    %get3A_109 = vector.shape_cast %get3A_108 : vector<1x16xf32> to vector<16xf32>
    %get3A_110 = arith.constant 0 : i32
    %get3A_111 = arith.index_cast %get3A_110 : i32 to index
    %get3A_112 = arith.constant 288 : index
    %get3A_113 = tpu.vector_load %arg5[%get3A_111, %get3A_112] {strides = array<i32>} : memref<2x512xf32, #tpu.memory_space<vmem>>, vector<1x16xf32>,
    %get3A_114 = vector.shape_cast %get3A_113 : vector<1x16xf32> to vector<16xf32>
    %get3A_115 = arith.constant 0 : i32
    %get3A_116 = arith.index_cast %get3A_115 : i32 to index
    %get3A_117 = arith.constant 304 : index
    %get3A_118 = tpu.vector_load %arg5[%get3A_116, %get3A_117] {strides = array<i32>} : memref<2x512xf32, #tpu.memory_space<vmem>>, vector<1x16xf32>,
    %get3A_119 = vector.shape_cast %get3A_118 : vector<1x16xf32> to vector<16xf32>
    %get3A_120 = arith.constant 0 : i32
    %get3A_121 = arith.index_cast %get3A_120 : i32 to index
    %get3A_122 = arith.constant 320 : index
    %get3A_123 = tpu.vector_load %arg5[%get3A_121, %get3A_122] {strides = array<i32>} : memref<2x512xf32, #tpu.memory_space<vmem>>, vector<1x16xf32>,
    %get3A_124 = vector.shape_cast %get3A_123 : vector<1x16xf32> to vector<16xf32>
    %get3A_125 = arith.constant 0 : i32
    %get3A_126 = arith.index_cast %get3A_125 : i32 to index
    %get3A_127 = arith.constant 336 : index
    %get3A_128 = tpu.vector_load %arg5[%get3A_126, %get3A_127] {strides = array<i32>} : memref<2x512xf32, #tpu.memory_space<vmem>>, vector<1x16xf32>,
    %get3A_129 = vector.shape_cast %get3A_128 : vector<1x16xf32> to vector<16xf32>
    %get3A_130 = arith.constant 0 : i32
    %get3A_131 = arith.index_cast %get3A_130 : i32 to index
    %get3A_132 = arith.constant 352 : index
    %get3A_133 = tpu.vector_load %arg5[%get3A_131, %get3A_132] {strides = array<i32>} : memref<2x512xf32, #tpu.memory_space<vmem>>, vector<1x16xf32>,
    %get3A_134 = vector.shape_cast %get3A_133 : vector<1x16xf32> to vector<16xf32>
    %get3A_135 = arith.constant 0 : i32
    %get3A_136 = arith.index_cast %get3A_135 : i32 to index
    %get3A_137 = arith.constant 368 : index
    %get3A_138 = tpu.vector_load %arg5[%get3A_136, %get3A_137] {strides = array<i32>} : memref<2x512xf32, #tpu.memory_space<vmem>>, vector<1x16xf32>,
    %get3A_139 = vector.shape_cast %get3A_138 : vector<1x16xf32> to vector<16xf32>
    %get3A_140 = arith.constant 0 : i32
    %get3A_141 = arith.index_cast %get3A_140 : i32 to index
    %get3A_142 = arith.constant 384 : index
    %get3A_143 = tpu.vector_load %arg5[%get3A_141, %get3A_142] {strides = array<i32>} : memref<2x512xf32, #tpu.memory_space<vmem>>, vector<1x16xf32>,
    %get3A_144 = vector.shape_cast %get3A_143 : vector<1x16xf32> to vector<16xf32>
    %get3A_145 = arith.constant 0 : i32
    %get3A_146 = arith.index_cast %get3A_145 : i32 to index
    %get3A_147 = arith.constant 400 : index
    %get3A_148 = tpu.vector_load %arg5[%get3A_146, %get3A_147] {strides = array<i32>} : memref<2x512xf32, #tpu.memory_space<vmem>>, vector<1x16xf32>,
    %get3A_149 = vector.shape_cast %get3A_148 : vector<1x16xf32> to vector<16xf32>
    %get3A_150 = arith.constant 0 : i32
    %get3A_151 = arith.index_cast %get3A_150 : i32 to index
    %get3A_152 = arith.constant 416 : index
    %get3A_153 = tpu.vector_load %arg5[%get3A_151, %get3A_152] {strides = array<i32>} : memref<2x512xf32, #tpu.memory_space<vmem>>, vector<1x16xf32>,
    %get3A_154 = vector.shape_cast %get3A_153 : vector<1x16xf32> to vector<16xf32>
    %get3A_155 = arith.constant 0 : i32
    %get3A_156 = arith.index_cast %get3A_155 : i32 to index
    %get3A_157 = arith.constant 432 : index
    %get3A_158 = tpu.vector_load %arg5[%get3A_156, %get3A_157] {strides = array<i32>} : memref<2x512xf32, #tpu.memory_space<vmem>>, vector<1x16xf32>,
    %get3A_159 = vector.shape_cast %get3A_158 : vector<1x16xf32> to vector<16xf32>
    %get3A_160 = arith.constant 0 : i32
    %get3A_161 = arith.index_cast %get3A_160 : i32 to index
    %get3A_162 = arith.constant 448 : index
    %get3A_163 = tpu.vector_load %arg5[%get3A_161, %get3A_162] {strides = array<i32>} : memref<2x512xf32, #tpu.memory_space<vmem>>, vector<1x16xf32>,
    %get3A_164 = vector.shape_cast %get3A_163 : vector<1x16xf32> to vector<16xf32>
    %get3A_165 = arith.constant 0 : i32
    %get3A_166 = arith.index_cast %get3A_165 : i32 to index
    %get3A_167 = arith.constant 464 : index
    %get3A_168 = tpu.vector_load %arg5[%get3A_166, %get3A_167] {strides = array<i32>} : memref<2x512xf32, #tpu.memory_space<vmem>>, vector<1x16xf32>,
    %get3A_169 = vector.shape_cast %get3A_168 : vector<1x16xf32> to vector<16xf32>
    %get3A_170 = arith.constant 0 : i32
    %get3A_171 = arith.index_cast %get3A_170 : i32 to index
    %get3A_172 = arith.constant 480 : index
    %get3A_173 = tpu.vector_load %arg5[%get3A_171, %get3A_172] {strides = array<i32>} : memref<2x512xf32, #tpu.memory_space<vmem>>, vector<1x16xf32>,
    %get3A_174 = vector.shape_cast %get3A_173 : vector<1x16xf32> to vector<16xf32>
    %get3A_175 = arith.constant 0 : i32
    %get3A_176 = arith.index_cast %get3A_175 : i32 to index
    %get3A_177 = arith.constant 496 : index
    %get3A_178 = tpu.vector_load %arg5[%get3A_176, %get3A_177] {strides = array<i32>} : memref<2x512xf32, #tpu.memory_space<vmem>>, vector<1x16xf32>,
    %get3A_179 = vector.shape_cast %get3A_178 : vector<1x16xf32> to vector<16xf32>
    %scan3A = arith.constant 0 : i32
    %scan3A_180 = arith.constant 0 : i32
    %scan3A_181 = arith.constant 64 : i32
    %scan3A_182 = arith.addi %scan3A_180, %scan3A_181 : i32
    %scan3A_183 = arith.constant 1 : i32
    scf.for %scan3A_399 = %scan3A_180 to %scan3A_182 step %scan3A_183  : i32 {
      %add3A_400 = arith.constant 0 : i32
      %add3A_401 = arith.addi %add3A_400, %scan3A_399 : i32
      %swap3A = arith.index_cast %add3A_401 : i32 to index
      %swap3A_402 = arith.constant 0 : index
      %swap3A_403 = tpu.vector_load %arg6[%swap3A, %swap3A_402] {strides = array<i32>} : memref<128x512xf32, #tpu.memory_space<vmem>>, vector<1x16xf32>,
      %swap3A_404 = vector.shape_cast %swap3A_403 : vector<1x16xf32> to vector<16xf32>
      %swap3A_405 = vector.shape_cast %get3A_24 : vector<16xf32> to vector<1x16xf32>
      tpu.vector_store %arg6[%swap3A, %swap3A_402], %swap3A_405 {strides = array<i32>} : memref<128x512xf32, #tpu.memory_space<vmem>>, vector<1x16xf32>,
      %add3A_406 = arith.constant 0 : i32
      %add3A_407 = arith.addi %add3A_406, %scan3A_399 : i32
      %swap3A_408 = arith.index_cast %add3A_407 : i32 to index
      %swap3A_409 = arith.constant 16 : index
      %swap3A_410 = tpu.vector_load %arg6[%swap3A_408, %swap3A_409] {strides = array<i32>} : memref<128x512xf32, #tpu.memory_space<vmem>>, vector<1x16xf32>,
      %swap3A_411 = vector.shape_cast %swap3A_410 : vector<1x16xf32> to vector<16xf32>
      %swap3A_412 = vector.shape_cast %get3A_29 : vector<16xf32> to vector<1x16xf32>
      tpu.vector_store %arg6[%swap3A_408, %swap3A_409], %swap3A_412 {strides = array<i32>} : memref<128x512xf32, #tpu.memory_space<vmem>>, vector<1x16xf32>,
      %add3A_413 = arith.constant 0 : i32
      %add3A_414 = arith.addi %add3A_413, %scan3A_399 : i32
      %swap3A_415 = arith.index_cast %add3A_414 : i32 to index
      %swap3A_416 = arith.constant 32 : index
      %swap3A_417 = tpu.vector_load %arg6[%swap3A_415, %swap3A_416] {strides = array<i32>} : memref<128x512xf32, #tpu.memory_space<vmem>>, vector<1x16xf32>,
      %swap3A_418 = vector.shape_cast %swap3A_417 : vector<1x16xf32> to vector<16xf32>
      %swap3A_419 = vector.shape_cast %get3A_34 : vector<16xf32> to vector<1x16xf32>
      tpu.vector_store %arg6[%swap3A_415, %swap3A_416], %swap3A_419 {strides = array<i32>} : memref<128x512xf32, #tpu.memory_space<vmem>>, vector<1x16xf32>,
      %add3A_420 = arith.constant 0 : i32
      %add3A_421 = arith.addi %add3A_420, %scan3A_399 : i32
      %swap3A_422 = arith.index_cast %add3A_421 : i32 to index
      %swap3A_423 = arith.constant 48 : index
      %swap3A_424 = tpu.vector_load %arg6[%swap3A_422, %swap3A_423] {strides = array<i32>} : memref<128x512xf32, #tpu.memory_space<vmem>>, vector<1x16xf32>,
      %swap3A_425 = vector.shape_cast %swap3A_424 : vector<1x16xf32> to vector<16xf32>
      %swap3A_426 = vector.shape_cast %get3A_39 : vector<16xf32> to vector<1x16xf32>
      tpu.vector_store %arg6[%swap3A_422, %swap3A_423], %swap3A_426 {strides = array<i32>} : memref<128x512xf32, #tpu.memory_space<vmem>>, vector<1x16xf32>,
      %add3A_427 = arith.constant 0 : i32
      %add3A_428 = arith.addi %add3A_427, %scan3A_399 : i32
      %swap3A_429 = arith.index_cast %add3A_428 : i32 to index
      %swap3A_430 = arith.constant 64 : index
      %swap3A_431 = tpu.vector_load %arg6[%swap3A_429, %swap3A_430] {strides = array<i32>} : memref<128x512xf32, #tpu.memory_space<vmem>>, vector<1x16xf32>,
      %swap3A_432 = vector.shape_cast %swap3A_431 : vector<1x16xf32> to vector<16xf32>
      %swap3A_433 = vector.shape_cast %get3A_44 : vector<16xf32> to vector<1x16xf32>
      tpu.vector_store %arg6[%swap3A_429, %swap3A_430], %swap3A_433 {strides = array<i32>} : memref<128x512xf32, #tpu.memory_space<vmem>>, vector<1x16xf32>,
      %add3A_434 = arith.constant 0 : i32
      %add3A_435 = arith.addi %add3A_434, %scan3A_399 : i32
      %swap3A_436 = arith.index_cast %add3A_435 : i32 to index
      %swap3A_437 = arith.constant 80 : index
      %swap3A_438 = tpu.vector_load %arg6[%swap3A_436, %swap3A_437] {strides = array<i32>} : memref<128x512xf32, #tpu.memory_space<vmem>>, vector<1x16xf32>,
      %swap3A_439 = vector.shape_cast %swap3A_438 : vector<1x16xf32> to vector<16xf32>
      %swap3A_440 = vector.shape_cast %get3A_49 : vector<16xf32> to vector<1x16xf32>
      tpu.vector_store %arg6[%swap3A_436, %swap3A_437], %swap3A_440 {strides = array<i32>} : memref<128x512xf32, #tpu.memory_space<vmem>>, vector<1x16xf32>,
      %add3A_441 = arith.constant 0 : i32
      %add3A_442 = arith.addi %add3A_441, %scan3A_399 : i32
      %swap3A_443 = arith.index_cast %add3A_442 : i32 to index
      %swap3A_444 = arith.constant 96 : index
      %swap3A_445 = tpu.vector_load %arg6[%swap3A_443, %swap3A_444] {strides = array<i32>} : memref<128x512xf32, #tpu.memory_space<vmem>>, vector<1x16xf32>,
      %swap3A_446 = vector.shape_cast %swap3A_445 : vector<1x16xf32> to vector<16xf32>
      %swap3A_447 = vector.shape_cast %get3A_54 : vector<16xf32> to vector<1x16xf32>
      tpu.vector_store %arg6[%swap3A_443, %swap3A_444], %swap3A_447 {strides = array<i32>} : memref<128x512xf32, #tpu.memory_space<vmem>>, vector<1x16xf32>,
      %add3A_448 = arith.constant 0 : i32
      %add3A_449 = arith.addi %add3A_448, %scan3A_399 : i32
      %swap3A_450 = arith.index_cast %add3A_449 : i32 to index
      %swap3A_451 = arith.constant 112 : index
      %swap3A_452 = tpu.vector_load %arg6[%swap3A_450, %swap3A_451] {strides = array<i32>} : memref<128x512xf32, #tpu.memory_space<vmem>>, vector<1x16xf32>,
      %swap3A_453 = vector.shape_cast %swap3A_452 : vector<1x16xf32> to vector<16xf32>
      %swap3A_454 = vector.shape_cast %get3A_59 : vector<16xf32> to vector<1x16xf32>
      tpu.vector_store %arg6[%swap3A_450, %swap3A_451], %swap3A_454 {strides = array<i32>} : memref<128x512xf32, #tpu.memory_space<vmem>>, vector<1x16xf32>,
      %add3A_455 = arith.constant 0 : i32
      %add3A_456 = arith.addi %add3A_455, %scan3A_399 : i32
      %swap3A_457 = arith.index_cast %add3A_456 : i32 to index
      %swap3A_458 = arith.constant 128 : index
      %swap3A_459 = tpu.vector_load %arg6[%swap3A_457, %swap3A_458] {strides = array<i32>} : memref<128x512xf32, #tpu.memory_space<vmem>>, vector<1x16xf32>,
      %swap3A_460 = vector.shape_cast %swap3A_459 : vector<1x16xf32> to vector<16xf32>
      %swap3A_461 = vector.shape_cast %get3A_64 : vector<16xf32> to vector<1x16xf32>
      tpu.vector_store %arg6[%swap3A_457, %swap3A_458], %swap3A_461 {strides = array<i32>} : memref<128x512xf32, #tpu.memory_space<vmem>>, vector<1x16xf32>,
      %add3A_462 = arith.constant 0 : i32
      %add3A_463 = arith.addi %add3A_462, %scan3A_399 : i32
      %swap3A_464 = arith.index_cast %add3A_463 : i32 to index
      %swap3A_465 = arith.constant 144 : index
      %swap3A_466 = tpu.vector_load %arg6[%swap3A_464, %swap3A_465] {strides = array<i32>} : memref<128x512xf32, #tpu.memory_space<vmem>>, vector<1x16xf32>,
      %swap3A_467 = vector.shape_cast %swap3A_466 : vector<1x16xf32> to vector<16xf32>
      %swap3A_468 = vector.shape_cast %get3A_69 : vector<16xf32> to vector<1x16xf32>
      tpu.vector_store %arg6[%swap3A_464, %swap3A_465], %swap3A_468 {strides = array<i32>} : memref<128x512xf32, #tpu.memory_space<vmem>>, vector<1x16xf32>,
      %add3A_469 = arith.constant 0 : i32
      %add3A_470 = arith.addi %add3A_469, %scan3A_399 : i32
      %swap3A_471 = arith.index_cast %add3A_470 : i32 to index
      %swap3A_472 = arith.constant 160 : index
      %swap3A_473 = tpu.vector_load %arg6[%swap3A_471, %swap3A_472] {strides = array<i32>} : memref<128x512xf32, #tpu.memory_space<vmem>>, vector<1x16xf32>,
      %swap3A_474 = vector.shape_cast %swap3A_473 : vector<1x16xf32> to vector<16xf32>
      %swap3A_475 = vector.shape_cast %get3A_74 : vector<16xf32> to vector<1x16xf32>
      tpu.vector_store %arg6[%swap3A_471, %swap3A_472], %swap3A_475 {strides = array<i32>} : memref<128x512xf32, #tpu.memory_space<vmem>>, vector<1x16xf32>,
      %add3A_476 = arith.constant 0 : i32
      %add3A_477 = arith.addi %add3A_476, %scan3A_399 : i32
      %swap3A_478 = arith.index_cast %add3A_477 : i32 to index
      %swap3A_479 = arith.constant 176 : index
      %swap3A_480 = tpu.vector_load %arg6[%swap3A_478, %swap3A_479] {strides = array<i32>} : memref<128x512xf32, #tpu.memory_space<vmem>>, vector<1x16xf32>,
      %swap3A_481 = vector.shape_cast %swap3A_480 : vector<1x16xf32> to vector<16xf32>
      %swap3A_482 = vector.shape_cast %get3A_79 : vector<16xf32> to vector<1x16xf32>
      tpu.vector_store %arg6[%swap3A_478, %swap3A_479], %swap3A_482 {strides = array<i32>} : memref<128x512xf32, #tpu.memory_space<vmem>>, vector<1x16xf32>,
      %add3A_483 = arith.constant 0 : i32
      %add3A_484 = arith.addi %add3A_483, %scan3A_399 : i32
      %swap3A_485 = arith.index_cast %add3A_484 : i32 to index
      %swap3A_486 = arith.constant 192 : index
      %swap3A_487 = tpu.vector_load %arg6[%swap3A_485, %swap3A_486] {strides = array<i32>} : memref<128x512xf32, #tpu.memory_space<vmem>>, vector<1x16xf32>,
      %swap3A_488 = vector.shape_cast %swap3A_487 : vector<1x16xf32> to vector<16xf32>
      %swap3A_489 = vector.shape_cast %get3A_84 : vector<16xf32> to vector<1x16xf32>
      tpu.vector_store %arg6[%swap3A_485, %swap3A_486], %swap3A_489 {strides = array<i32>} : memref<128x512xf32, #tpu.memory_space<vmem>>, vector<1x16xf32>,
      %add3A_490 = arith.constant 0 : i32
      %add3A_491 = arith.addi %add3A_490, %scan3A_399 : i32
      %swap3A_492 = arith.index_cast %add3A_491 : i32 to index
      %swap3A_493 = arith.constant 208 : index
      %swap3A_494 = tpu.vector_load %arg6[%swap3A_492, %swap3A_493] {strides = array<i32>} : memref<128x512xf32, #tpu.memory_space<vmem>>, vector<1x16xf32>,
      %swap3A_495 = vector.shape_cast %swap3A_494 : vector<1x16xf32> to vector<16xf32>
      %swap3A_496 = vector.shape_cast %get3A_89 : vector<16xf32> to vector<1x16xf32>
      tpu.vector_store %arg6[%swap3A_492, %swap3A_493], %swap3A_496 {strides = array<i32>} : memref<128x512xf32, #tpu.memory_space<vmem>>, vector<1x16xf32>,
      %add3A_497 = arith.constant 0 : i32
      %add3A_498 = arith.addi %add3A_497, %scan3A_399 : i32
      %swap3A_499 = arith.index_cast %add3A_498 : i32 to index
      %swap3A_500 = arith.constant 224 : index
      %swap3A_501 = tpu.vector_load %arg6[%swap3A_499, %swap3A_500] {strides = array<i32>} : memref<128x512xf32, #tpu.memory_space<vmem>>, vector<1x16xf32>,
      %swap3A_502 = vector.shape_cast %swap3A_501 : vector<1x16xf32> to vector<16xf32>
      %swap3A_503 = vector.shape_cast %get3A_94 : vector<16xf32> to vector<1x16xf32>
      tpu.vector_store %arg6[%swap3A_499, %swap3A_500], %swap3A_503 {strides = array<i32>} : memref<128x512xf32, #tpu.memory_space<vmem>>, vector<1x16xf32>,
      %add3A_504 = arith.constant 0 : i32
      %add3A_505 = arith.addi %add3A_504, %scan3A_399 : i32
      %swap3A_506 = arith.index_cast %add3A_505 : i32 to index
      %swap3A_507 = arith.constant 240 : index
      %swap3A_508 = tpu.vector_load %arg6[%swap3A_506, %swap3A_507] {strides = array<i32>} : memref<128x512xf32, #tpu.memory_space<vmem>>, vector<1x16xf32>,
      %swap3A_509 = vector.shape_cast %swap3A_508 : vector<1x16xf32> to vector<16xf32>
      %swap3A_510 = vector.shape_cast %get3A_99 : vector<16xf32> to vector<1x16xf32>
      tpu.vector_store %arg6[%swap3A_506, %swap3A_507], %swap3A_510 {strides = array<i32>} : memref<128x512xf32, #tpu.memory_space<vmem>>, vector<1x16xf32>,
      %add3A_511 = arith.constant 0 : i32
      %add3A_512 = arith.addi %add3A_511, %scan3A_399 : i32
      %swap3A_513 = arith.index_cast %add3A_512 : i32 to index
      %swap3A_514 = arith.constant 256 : index
      %swap3A_515 = tpu.vector_load %arg6[%swap3A_513, %swap3A_514] {strides = array<i32>} : memref<128x512xf32, #tpu.memory_space<vmem>>, vector<1x16xf32>,
      %swap3A_516 = vector.shape_cast %swap3A_515 : vector<1x16xf32> to vector<16xf32>
      %swap3A_517 = vector.shape_cast %get3A_104 : vector<16xf32> to vector<1x16xf32>
      tpu.vector_store %arg6[%swap3A_513, %swap3A_514], %swap3A_517 {strides = array<i32>} : memref<128x512xf32, #tpu.memory_space<vmem>>, vector<1x16xf32>,
      %add3A_518 = arith.constant 0 : i32
      %add3A_519 = arith.addi %add3A_518, %scan3A_399 : i32
      %swap3A_520 = arith.index_cast %add3A_519 : i32 to index
      %swap3A_521 = arith.constant 272 : index
      %swap3A_522 = tpu.vector_load %arg6[%swap3A_520, %swap3A_521] {strides = array<i32>} : memref<128x512xf32, #tpu.memory_space<vmem>>, vector<1x16xf32>,
      %swap3A_523 = vector.shape_cast %swap3A_522 : vector<1x16xf32> to vector<16xf32>
      %swap3A_524 = vector.shape_cast %get3A_109 : vector<16xf32> to vector<1x16xf32>
      tpu.vector_store %arg6[%swap3A_520, %swap3A_521], %swap3A_524 {strides = array<i32>} : memref<128x512xf32, #tpu.memory_space<vmem>>, vector<1x16xf32>,
      %add3A_525 = arith.constant 0 : i32
      %add3A_526 = arith.addi %add3A_525, %scan3A_399 : i32
      %swap3A_527 = arith.index_cast %add3A_526 : i32 to index
      %swap3A_528 = arith.constant 288 : index
      %swap3A_529 = tpu.vector_load %arg6[%swap3A_527, %swap3A_528] {strides = array<i32>} : memref<128x512xf32, #tpu.memory_space<vmem>>, vector<1x16xf32>,
      %swap3A_530 = vector.shape_cast %swap3A_529 : vector<1x16xf32> to vector<16xf32>
      %swap3A_531 = vector.shape_cast %get3A_114 : vector<16xf32> to vector<1x16xf32>
      tpu.vector_store %arg6[%swap3A_527, %swap3A_528], %swap3A_531 {strides = array<i32>} : memref<128x512xf32, #tpu.memory_space<vmem>>, vector<1x16xf32>,
      %add3A_532 = arith.constant 0 : i32
      %add3A_533 = arith.addi %add3A_532, %scan3A_399 : i32
      %swap3A_534 = arith.index_cast %add3A_533 : i32 to index
      %swap3A_535 = arith.constant 304 : index
      %swap3A_536 = tpu.vector_load %arg6[%swap3A_534, %swap3A_535] {strides = array<i32>} : memref<128x512xf32, #tpu.memory_space<vmem>>, vector<1x16xf32>,
      %swap3A_537 = vector.shape_cast %swap3A_536 : vector<1x16xf32> to vector<16xf32>
      %swap3A_538 = vector.shape_cast %get3A_119 : vector<16xf32> to vector<1x16xf32>
      tpu.vector_store %arg6[%swap3A_534, %swap3A_535], %swap3A_538 {strides = array<i32>} : memref<128x512xf32, #tpu.memory_space<vmem>>, vector<1x16xf32>,
      %add3A_539 = arith.constant 0 : i32
      %add3A_540 = arith.addi %add3A_539, %scan3A_399 : i32
      %swap3A_541 = arith.index_cast %add3A_540 : i32 to index
      %swap3A_542 = arith.constant 320 : index
      %swap3A_543 = tpu.vector_load %arg6[%swap3A_541, %swap3A_542] {strides = array<i32>} : memref<128x512xf32, #tpu.memory_space<vmem>>, vector<1x16xf32>,
      %swap3A_544 = vector.shape_cast %swap3A_543 : vector<1x16xf32> to vector<16xf32>
      %swap3A_545 = vector.shape_cast %get3A_124 : vector<16xf32> to vector<1x16xf32>
      tpu.vector_store %arg6[%swap3A_541, %swap3A_542], %swap3A_545 {strides = array<i32>} : memref<128x512xf32, #tpu.memory_space<vmem>>, vector<1x16xf32>,
      %add3A_546 = arith.constant 0 : i32
      %add3A_547 = arith.addi %add3A_546, %scan3A_399 : i32
      %swap3A_548 = arith.index_cast %add3A_547 : i32 to index
      %swap3A_549 = arith.constant 336 : index
      %swap3A_550 = tpu.vector_load %arg6[%swap3A_548, %swap3A_549] {strides = array<i32>} : memref<128x512xf32, #tpu.memory_space<vmem>>, vector<1x16xf32>,
      %swap3A_551 = vector.shape_cast %swap3A_550 : vector<1x16xf32> to vector<16xf32>
      %swap3A_552 = vector.shape_cast %get3A_129 : vector<16xf32> to vector<1x16xf32>
      tpu.vector_store %arg6[%swap3A_548, %swap3A_549], %swap3A_552 {strides = array<i32>} : memref<128x512xf32, #tpu.memory_space<vmem>>, vector<1x16xf32>,
      %add3A_553 = arith.constant 0 : i32
      %add3A_554 = arith.addi %add3A_553, %scan3A_399 : i32
      %swap3A_555 = arith.index_cast %add3A_554 : i32 to index
      %swap3A_556 = arith.constant 352 : index
      %swap3A_557 = tpu.vector_load %arg6[%swap3A_555, %swap3A_556] {strides = array<i32>} : memref<128x512xf32, #tpu.memory_space<vmem>>, vector<1x16xf32>,
      %swap3A_558 = vector.shape_cast %swap3A_557 : vector<1x16xf32> to vector<16xf32>
      %swap3A_559 = vector.shape_cast %get3A_134 : vector<16xf32> to vector<1x16xf32>
      tpu.vector_store %arg6[%swap3A_555, %swap3A_556], %swap3A_559 {strides = array<i32>} : memref<128x512xf32, #tpu.memory_space<vmem>>, vector<1x16xf32>,
      %add3A_560 = arith.constant 0 : i32
      %add3A_561 = arith.addi %add3A_560, %scan3A_399 : i32
      %swap3A_562 = arith.index_cast %add3A_561 : i32 to index
      %swap3A_563 = arith.constant 368 : index
      %swap3A_564 = tpu.vector_load %arg6[%swap3A_562, %swap3A_563] {strides = array<i32>} : memref<128x512xf32, #tpu.memory_space<vmem>>, vector<1x16xf32>,
      %swap3A_565 = vector.shape_cast %swap3A_564 : vector<1x16xf32> to vector<16xf32>
      %swap3A_566 = vector.shape_cast %get3A_139 : vector<16xf32> to vector<1x16xf32>
      tpu.vector_store %arg6[%swap3A_562, %swap3A_563], %swap3A_566 {strides = array<i32>} : memref<128x512xf32, #tpu.memory_space<vmem>>, vector<1x16xf32>,
      %add3A_567 = arith.constant 0 : i32
      %add3A_568 = arith.addi %add3A_567, %scan3A_399 : i32
      %swap3A_569 = arith.index_cast %add3A_568 : i32 to index
      %swap3A_570 = arith.constant 384 : index
      %swap3A_571 = tpu.vector_load %arg6[%swap3A_569, %swap3A_570] {strides = array<i32>} : memref<128x512xf32, #tpu.memory_space<vmem>>, vector<1x16xf32>,
      %swap3A_572 = vector.shape_cast %swap3A_571 : vector<1x16xf32> to vector<16xf32>
      %swap3A_573 = vector.shape_cast %get3A_144 : vector<16xf32> to vector<1x16xf32>
      tpu.vector_store %arg6[%swap3A_569, %swap3A_570], %swap3A_573 {strides = array<i32>} : memref<128x512xf32, #tpu.memory_space<vmem>>, vector<1x16xf32>,
      %add3A_574 = arith.constant 0 : i32
      %add3A_575 = arith.addi %add3A_574, %scan3A_399 : i32
      %swap3A_576 = arith.index_cast %add3A_575 : i32 to index
      %swap3A_577 = arith.constant 400 : index
      %swap3A_578 = tpu.vector_load %arg6[%swap3A_576, %swap3A_577] {strides = array<i32>} : memref<128x512xf32, #tpu.memory_space<vmem>>, vector<1x16xf32>,
      %swap3A_579 = vector.shape_cast %swap3A_578 : vector<1x16xf32> to vector<16xf32>
      %swap3A_580 = vector.shape_cast %get3A_149 : vector<16xf32> to vector<1x16xf32>
      tpu.vector_store %arg6[%swap3A_576, %swap3A_577], %swap3A_580 {strides = array<i32>} : memref<128x512xf32, #tpu.memory_space<vmem>>, vector<1x16xf32>,
      %add3A_581 = arith.constant 0 : i32
      %add3A_582 = arith.addi %add3A_581, %scan3A_399 : i32
      %swap3A_583 = arith.index_cast %add3A_582 : i32 to index
      %swap3A_584 = arith.constant 416 : index
      %swap3A_585 = tpu.vector_load %arg6[%swap3A_583, %swap3A_584] {strides = array<i32>} : memref<128x512xf32, #tpu.memory_space<vmem>>, vector<1x16xf32>,
      %swap3A_586 = vector.shape_cast %swap3A_585 : vector<1x16xf32> to vector<16xf32>
      %swap3A_587 = vector.shape_cast %get3A_154 : vector<16xf32> to vector<1x16xf32>
      tpu.vector_store %arg6[%swap3A_583, %swap3A_584], %swap3A_587 {strides = array<i32>} : memref<128x512xf32, #tpu.memory_space<vmem>>, vector<1x16xf32>,
      %add3A_588 = arith.constant 0 : i32
      %add3A_589 = arith.addi %add3A_588, %scan3A_399 : i32
      %swap3A_590 = arith.index_cast %add3A_589 : i32 to index
      %swap3A_591 = arith.constant 432 : index
      %swap3A_592 = tpu.vector_load %arg6[%swap3A_590, %swap3A_591] {strides = array<i32>} : memref<128x512xf32, #tpu.memory_space<vmem>>, vector<1x16xf32>,
      %swap3A_593 = vector.shape_cast %swap3A_592 : vector<1x16xf32> to vector<16xf32>
      %swap3A_594 = vector.shape_cast %get3A_159 : vector<16xf32> to vector<1x16xf32>
      tpu.vector_store %arg6[%swap3A_590, %swap3A_591], %swap3A_594 {strides = array<i32>} : memref<128x512xf32, #tpu.memory_space<vmem>>, vector<1x16xf32>,
      %add3A_595 = arith.constant 0 : i32
      %add3A_596 = arith.addi %add3A_595, %scan3A_399 : i32
      %swap3A_597 = arith.index_cast %add3A_596 : i32 to index
      %swap3A_598 = arith.constant 448 : index
      %swap3A_599 = tpu.vector_load %arg6[%swap3A_597, %swap3A_598] {strides = array<i32>} : memref<128x512xf32, #tpu.memory_space<vmem>>, vector<1x16xf32>,
      %swap3A_600 = vector.shape_cast %swap3A_599 : vector<1x16xf32> to vector<16xf32>
      %swap3A_601 = vector.shape_cast %get3A_164 : vector<16xf32> to vector<1x16xf32>
      tpu.vector_store %arg6[%swap3A_597, %swap3A_598], %swap3A_601 {strides = array<i32>} : memref<128x512xf32, #tpu.memory_space<vmem>>, vector<1x16xf32>,
      %add3A_602 = arith.constant 0 : i32
      %add3A_603 = arith.addi %add3A_602, %scan3A_399 : i32
      %swap3A_604 = arith.index_cast %add3A_603 : i32 to index
      %swap3A_605 = arith.constant 464 : index
      %swap3A_606 = tpu.vector_load %arg6[%swap3A_604, %swap3A_605] {strides = array<i32>} : memref<128x512xf32, #tpu.memory_space<vmem>>, vector<1x16xf32>,
      %swap3A_607 = vector.shape_cast %swap3A_606 : vector<1x16xf32> to vector<16xf32>
      %swap3A_608 = vector.shape_cast %get3A_169 : vector<16xf32> to vector<1x16xf32>
      tpu.vector_store %arg6[%swap3A_604, %swap3A_605], %swap3A_608 {strides = array<i32>} : memref<128x512xf32, #tpu.memory_space<vmem>>, vector<1x16xf32>,
      %add3A_609 = arith.constant 0 : i32
      %add3A_610 = arith.addi %add3A_609, %scan3A_399 : i32
      %swap3A_611 = arith.index_cast %add3A_610 : i32 to index
      %swap3A_612 = arith.constant 480 : index
      %swap3A_613 = tpu.vector_load %arg6[%swap3A_611, %swap3A_612] {strides = array<i32>} : memref<128x512xf32, #tpu.memory_space<vmem>>, vector<1x16xf32>,
      %swap3A_614 = vector.shape_cast %swap3A_613 : vector<1x16xf32> to vector<16xf32>
      %swap3A_615 = vector.shape_cast %get3A_174 : vector<16xf32> to vector<1x16xf32>
      tpu.vector_store %arg6[%swap3A_611, %swap3A_612], %swap3A_615 {strides = array<i32>} : memref<128x512xf32, #tpu.memory_space<vmem>>, vector<1x16xf32>,
      %add3A_616 = arith.constant 0 : i32
      %add3A_617 = arith.addi %add3A_616, %scan3A_399 : i32
      %swap3A_618 = arith.index_cast %add3A_617 : i32 to index
      %swap3A_619 = arith.constant 496 : index
      %swap3A_620 = tpu.vector_load %arg6[%swap3A_618, %swap3A_619] {strides = array<i32>} : memref<128x512xf32, #tpu.memory_space<vmem>>, vector<1x16xf32>,
      %swap3A_621 = vector.shape_cast %swap3A_620 : vector<1x16xf32> to vector<16xf32>
      %swap3A_622 = vector.shape_cast %get3A_179 : vector<16xf32> to vector<1x16xf32>
      tpu.vector_store %arg6[%swap3A_618, %swap3A_619], %swap3A_622 {strides = array<i32>} : memref<128x512xf32, #tpu.memory_space<vmem>>, vector<1x16xf32>,
    }
    %scan3A_184 = arith.constant 64 : i32
    %add3A_185 = arith.constant 0 : i32
    %add3A_186 = arith.addi %mul3A_2, %add3A_185 : i32
    %dma_start3A_187 = arith.constant 0 : i32
    %dma_start3A_188 = arith.constant 0 : i32
    %dma_start3A_189 = tpu.memref_slice %arg6[%dma_start3A_187, %dma_start3A_188] : memref<128x512xf32, #tpu.memory_space<vmem>> -> memref<64x512xf32, #tpu.memory_space<vmem>>
    %dma_start3A_190 = arith.constant 0 : i32
    %dma_start3A_191 = tpu.memref_slice %arg4[%add3A_186, %dma_start3A_190] : memref<4096x1024xf32, #tpu.memory_space<hbm>> -> memref<64x512xf32, #tpu.memory_space<hbm>>
    %dma_start3A_192 = arith.constant 0 : i32
    %dma_start3A_193 = tpu.memref_slice %arg4[%add3A_186, %dma_start3A_192] : memref<4096x1024xf32, #tpu.memory_space<hbm>> -> memref<64x512xf32, #tpu.memory_space<hbm>>
    %dma_start3A_194 = arith.constant 0 : i32
    %dma_start3A_195 = arith.constant 0 : i32
    %dma_start3A_196 = tpu.memref_slice %arg6[%dma_start3A_194, %dma_start3A_195] : memref<128x512xf32, #tpu.memory_space<vmem>> -> memref<64x512xf32, #tpu.memory_space<vmem>>
    tpu.enqueue_dma source(%dma_start3A_196 : memref<64x512xf32, #tpu.memory_space<vmem>>) target(%dma_start3A_193 : memref<64x512xf32, #tpu.memory_space<hbm>>) target_semaphore(%arg9 : memref<!tpu.dma_semaphore, #tpu.memory_space<semaphore_mem>>)
    %get3A_197 = arith.constant 1 : i32
    %get3A_198 = arith.index_cast %get3A_197 : i32 to index
    %get3A_199 = arith.constant 0 : index
    %get3A_200 = tpu.vector_load %arg5[%get3A_198, %get3A_199] {strides = array<i32>} : memref<2x512xf32, #tpu.memory_space<vmem>>, vector<1x16xf32>,
    %get3A_201 = vector.shape_cast %get3A_200 : vector<1x16xf32> to vector<16xf32>
    %get3A_202 = arith.constant 1 : i32
    %get3A_203 = arith.index_cast %get3A_202 : i32 to index
    %get3A_204 = arith.constant 16 : index
    %get3A_205 = tpu.vector_load %arg5[%get3A_203, %get3A_204] {strides = array<i32>} : memref<2x512xf32, #tpu.memory_space<vmem>>, vector<1x16xf32>,
    %get3A_206 = vector.shape_cast %get3A_205 : vector<1x16xf32> to vector<16xf32>
    %get3A_207 = arith.constant 1 : i32
    %get3A_208 = arith.index_cast %get3A_207 : i32 to index
    %get3A_209 = arith.constant 32 : index
    %get3A_210 = tpu.vector_load %arg5[%get3A_208, %get3A_209] {strides = array<i32>} : memref<2x512xf32, #tpu.memory_space<vmem>>, vector<1x16xf32>,
    %get3A_211 = vector.shape_cast %get3A_210 : vector<1x16xf32> to vector<16xf32>
    %get3A_212 = arith.constant 1 : i32
    %get3A_213 = arith.index_cast %get3A_212 : i32 to index
    %get3A_214 = arith.constant 48 : index
    %get3A_215 = tpu.vector_load %arg5[%get3A_213, %get3A_214] {strides = array<i32>} : memref<2x512xf32, #tpu.memory_space<vmem>>, vector<1x16xf32>,
    %get3A_216 = vector.shape_cast %get3A_215 : vector<1x16xf32> to vector<16xf32>
    %get3A_217 = arith.constant 1 : i32
    %get3A_218 = arith.index_cast %get3A_217 : i32 to index
    %get3A_219 = arith.constant 64 : index
    %get3A_220 = tpu.vector_load %arg5[%get3A_218, %get3A_219] {strides = array<i32>} : memref<2x512xf32, #tpu.memory_space<vmem>>, vector<1x16xf32>,
    %get3A_221 = vector.shape_cast %get3A_220 : vector<1x16xf32> to vector<16xf32>
    %get3A_222 = arith.constant 1 : i32
    %get3A_223 = arith.index_cast %get3A_222 : i32 to index
    %get3A_224 = arith.constant 80 : index
    %get3A_225 = tpu.vector_load %arg5[%get3A_223, %get3A_224] {strides = array<i32>} : memref<2x512xf32, #tpu.memory_space<vmem>>, vector<1x16xf32>,
    %get3A_226 = vector.shape_cast %get3A_225 : vector<1x16xf32> to vector<16xf32>
    %get3A_227 = arith.constant 1 : i32
    %get3A_228 = arith.index_cast %get3A_227 : i32 to index
    %get3A_229 = arith.constant 96 : index
    %get3A_230 = tpu.vector_load %arg5[%get3A_228, %get3A_229] {strides = array<i32>} : memref<2x512xf32, #tpu.memory_space<vmem>>, vector<1x16xf32>,
    %get3A_231 = vector.shape_cast %get3A_230 : vector<1x16xf32> to vector<16xf32>
    %get3A_232 = arith.constant 1 : i32
    %get3A_233 = arith.index_cast %get3A_232 : i32 to index
    %get3A_234 = arith.constant 112 : index
    %get3A_235 = tpu.vector_load %arg5[%get3A_233, %get3A_234] {strides = array<i32>} : memref<2x512xf32, #tpu.memory_space<vmem>>, vector<1x16xf32>,
    %get3A_236 = vector.shape_cast %get3A_235 : vector<1x16xf32> to vector<16xf32>
    %get3A_237 = arith.constant 1 : i32
    %get3A_238 = arith.index_cast %get3A_237 : i32 to index
    %get3A_239 = arith.constant 128 : index
    %get3A_240 = tpu.vector_load %arg5[%get3A_238, %get3A_239] {strides = array<i32>} : memref<2x512xf32, #tpu.memory_space<vmem>>, vector<1x16xf32>,
    %get3A_241 = vector.shape_cast %get3A_240 : vector<1x16xf32> to vector<16xf32>
    %get3A_242 = arith.constant 1 : i32
    %get3A_243 = arith.index_cast %get3A_242 : i32 to index
    %get3A_244 = arith.constant 144 : index
    %get3A_245 = tpu.vector_load %arg5[%get3A_243, %get3A_244] {strides = array<i32>} : memref<2x512xf32, #tpu.memory_space<vmem>>, vector<1x16xf32>,
    %get3A_246 = vector.shape_cast %get3A_245 : vector<1x16xf32> to vector<16xf32>
    %get3A_247 = arith.constant 1 : i32
    %get3A_248 = arith.index_cast %get3A_247 : i32 to index
    %get3A_249 = arith.constant 160 : index
    %get3A_250 = tpu.vector_load %arg5[%get3A_248, %get3A_249] {strides = array<i32>} : memref<2x512xf32, #tpu.memory_space<vmem>>, vector<1x16xf32>,
    %get3A_251 = vector.shape_cast %get3A_250 : vector<1x16xf32> to vector<16xf32>
    %get3A_252 = arith.constant 1 : i32
    %get3A_253 = arith.index_cast %get3A_252 : i32 to index
    %get3A_254 = arith.constant 176 : index
    %get3A_255 = tpu.vector_load %arg5[%get3A_253, %get3A_254] {strides = array<i32>} : memref<2x512xf32, #tpu.memory_space<vmem>>, vector<1x16xf32>,
    %get3A_256 = vector.shape_cast %get3A_255 : vector<1x16xf32> to vector<16xf32>
    %get3A_257 = arith.constant 1 : i32
    %get3A_258 = arith.index_cast %get3A_257 : i32 to index
    %get3A_259 = arith.constant 192 : index
    %get3A_260 = tpu.vector_load %arg5[%get3A_258, %get3A_259] {strides = array<i32>} : memref<2x512xf32, #tpu.memory_space<vmem>>, vector<1x16xf32>,
    %get3A_261 = vector.shape_cast %get3A_260 : vector<1x16xf32> to vector<16xf32>
    %get3A_262 = arith.constant 1 : i32
    %get3A_263 = arith.index_cast %get3A_262 : i32 to index
    %get3A_264 = arith.constant 208 : index
    %get3A_265 = tpu.vector_load %arg5[%get3A_263, %get3A_264] {strides = array<i32>} : memref<2x512xf32, #tpu.memory_space<vmem>>, vector<1x16xf32>,
    %get3A_266 = vector.shape_cast %get3A_265 : vector<1x16xf32> to vector<16xf32>
    %get3A_267 = arith.constant 1 : i32
    %get3A_268 = arith.index_cast %get3A_267 : i32 to index
    %get3A_269 = arith.constant 224 : index
    %get3A_270 = tpu.vector_load %arg5[%get3A_268, %get3A_269] {strides = array<i32>} : memref<2x512xf32, #tpu.memory_space<vmem>>, vector<1x16xf32>,
    %get3A_271 = vector.shape_cast %get3A_270 : vector<1x16xf32> to vector<16xf32>
    %get3A_272 = arith.constant 1 : i32
    %get3A_273 = arith.index_cast %get3A_272 : i32 to index
    %get3A_274 = arith.constant 240 : index
    %get3A_275 = tpu.vector_load %arg5[%get3A_273, %get3A_274] {strides = array<i32>} : memref<2x512xf32, #tpu.memory_space<vmem>>, vector<1x16xf32>,
    %get3A_276 = vector.shape_cast %get3A_275 : vector<1x16xf32> to vector<16xf32>
    %get3A_277 = arith.constant 1 : i32
    %get3A_278 = arith.index_cast %get3A_277 : i32 to index
    %get3A_279 = arith.constant 256 : index
    %get3A_280 = tpu.vector_load %arg5[%get3A_278, %get3A_279] {strides = array<i32>} : memref<2x512xf32, #tpu.memory_space<vmem>>, vector<1x16xf32>,
    %get3A_281 = vector.shape_cast %get3A_280 : vector<1x16xf32> to vector<16xf32>
    %get3A_282 = arith.constant 1 : i32
    %get3A_283 = arith.index_cast %get3A_282 : i32 to index
    %get3A_284 = arith.constant 272 : index
    %get3A_285 = tpu.vector_load %arg5[%get3A_283, %get3A_284] {strides = array<i32>} : memref<2x512xf32, #tpu.memory_space<vmem>>, vector<1x16xf32>,
    %get3A_286 = vector.shape_cast %get3A_285 : vector<1x16xf32> to vector<16xf32>
    %get3A_287 = arith.constant 1 : i32
    %get3A_288 = arith.index_cast %get3A_287 : i32 to index
    %get3A_289 = arith.constant 288 : index
    %get3A_290 = tpu.vector_load %arg5[%get3A_288, %get3A_289] {strides = array<i32>} : memref<2x512xf32, #tpu.memory_space<vmem>>, vector<1x16xf32>,
    %get3A_291 = vector.shape_cast %get3A_290 : vector<1x16xf32> to vector<16xf32>
    %get3A_292 = arith.constant 1 : i32
    %get3A_293 = arith.index_cast %get3A_292 : i32 to index
    %get3A_294 = arith.constant 304 : index
    %get3A_295 = tpu.vector_load %arg5[%get3A_293, %get3A_294] {strides = array<i32>} : memref<2x512xf32, #tpu.memory_space<vmem>>, vector<1x16xf32>,
    %get3A_296 = vector.shape_cast %get3A_295 : vector<1x16xf32> to vector<16xf32>
    %get3A_297 = arith.constant 1 : i32
    %get3A_298 = arith.index_cast %get3A_297 : i32 to index
    %get3A_299 = arith.constant 320 : index
    %get3A_300 = tpu.vector_load %arg5[%get3A_298, %get3A_299] {strides = array<i32>} : memref<2x512xf32, #tpu.memory_space<vmem>>, vector<1x16xf32>,
    %get3A_301 = vector.shape_cast %get3A_300 : vector<1x16xf32> to vector<16xf32>
    %get3A_302 = arith.constant 1 : i32
    %get3A_303 = arith.index_cast %get3A_302 : i32 to index
    %get3A_304 = arith.constant 336 : index
    %get3A_305 = tpu.vector_load %arg5[%get3A_303, %get3A_304] {strides = array<i32>} : memref<2x512xf32, #tpu.memory_space<vmem>>, vector<1x16xf32>,
    %get3A_306 = vector.shape_cast %get3A_305 : vector<1x16xf32> to vector<16xf32>
    %get3A_307 = arith.constant 1 : i32
    %get3A_308 = arith.index_cast %get3A_307 : i32 to index
    %get3A_309 = arith.constant 352 : index
    %get3A_310 = tpu.vector_load %arg5[%get3A_308, %get3A_309] {strides = array<i32>} : memref<2x512xf32, #tpu.memory_space<vmem>>, vector<1x16xf32>,
    %get3A_311 = vector.shape_cast %get3A_310 : vector<1x16xf32> to vector<16xf32>
    %get3A_312 = arith.constant 1 : i32
    %get3A_313 = arith.index_cast %get3A_312 : i32 to index
    %get3A_314 = arith.constant 368 : index
    %get3A_315 = tpu.vector_load %arg5[%get3A_313, %get3A_314] {strides = array<i32>} : memref<2x512xf32, #tpu.memory_space<vmem>>, vector<1x16xf32>,
    %get3A_316 = vector.shape_cast %get3A_315 : vector<1x16xf32> to vector<16xf32>
    %get3A_317 = arith.constant 1 : i32
    %get3A_318 = arith.index_cast %get3A_317 : i32 to index
    %get3A_319 = arith.constant 384 : index
    %get3A_320 = tpu.vector_load %arg5[%get3A_318, %get3A_319] {strides = array<i32>} : memref<2x512xf32, #tpu.memory_space<vmem>>, vector<1x16xf32>,
    %get3A_321 = vector.shape_cast %get3A_320 : vector<1x16xf32> to vector<16xf32>
    %get3A_322 = arith.constant 1 : i32
    %get3A_323 = arith.index_cast %get3A_322 : i32 to index
    %get3A_324 = arith.constant 400 : index
    %get3A_325 = tpu.vector_load %arg5[%get3A_323, %get3A_324] {strides = array<i32>} : memref<2x512xf32, #tpu.memory_space<vmem>>, vector<1x16xf32>,
    %get3A_326 = vector.shape_cast %get3A_325 : vector<1x16xf32> to vector<16xf32>
    %get3A_327 = arith.constant 1 : i32
    %get3A_328 = arith.index_cast %get3A_327 : i32 to index
    %get3A_329 = arith.constant 416 : index
    %get3A_330 = tpu.vector_load %arg5[%get3A_328, %get3A_329] {strides = array<i32>} : memref<2x512xf32, #tpu.memory_space<vmem>>, vector<1x16xf32>,
    %get3A_331 = vector.shape_cast %get3A_330 : vector<1x16xf32> to vector<16xf32>
    %get3A_332 = arith.constant 1 : i32
    %get3A_333 = arith.index_cast %get3A_332 : i32 to index
    %get3A_334 = arith.constant 432 : index
    %get3A_335 = tpu.vector_load %arg5[%get3A_333, %get3A_334] {strides = array<i32>} : memref<2x512xf32, #tpu.memory_space<vmem>>, vector<1x16xf32>,
    %get3A_336 = vector.shape_cast %get3A_335 : vector<1x16xf32> to vector<16xf32>
    %get3A_337 = arith.constant 1 : i32
    %get3A_338 = arith.index_cast %get3A_337 : i32 to index
    %get3A_339 = arith.constant 448 : index
    %get3A_340 = tpu.vector_load %arg5[%get3A_338, %get3A_339] {strides = array<i32>} : memref<2x512xf32, #tpu.memory_space<vmem>>, vector<1x16xf32>,
    %get3A_341 = vector.shape_cast %get3A_340 : vector<1x16xf32> to vector<16xf32>
    %get3A_342 = arith.constant 1 : i32
    %get3A_343 = arith.index_cast %get3A_342 : i32 to index
    %get3A_344 = arith.constant 464 : index
    %get3A_345 = tpu.vector_load %arg5[%get3A_343, %get3A_344] {strides = array<i32>} : memref<2x512xf32, #tpu.memory_space<vmem>>, vector<1x16xf32>,
    %get3A_346 = vector.shape_cast %get3A_345 : vector<1x16xf32> to vector<16xf32>
    %get3A_347 = arith.constant 1 : i32
    %get3A_348 = arith.index_cast %get3A_347 : i32 to index
    %get3A_349 = arith.constant 480 : index
    %get3A_350 = tpu.vector_load %arg5[%get3A_348, %get3A_349] {strides = array<i32>} : memref<2x512xf32, #tpu.memory_space<vmem>>, vector<1x16xf32>,
    %get3A_351 = vector.shape_cast %get3A_350 : vector<1x16xf32> to vector<16xf32>
    %get3A_352 = arith.constant 1 : i32
    %get3A_353 = arith.index_cast %get3A_352 : i32 to index
    %get3A_354 = arith.constant 496 : index
    %get3A_355 = tpu.vector_load %arg5[%get3A_353, %get3A_354] {strides = array<i32>} : memref<2x512xf32, #tpu.memory_space<vmem>>, vector<1x16xf32>,
    %get3A_356 = vector.shape_cast %get3A_355 : vector<1x16xf32> to vector<16xf32>
    %scan3A_357 = arith.constant 0 : i32
    %scan3A_358 = arith.constant 0 : i32
    %scan3A_359 = arith.constant 64 : i32
    %scan3A_360 = arith.addi %scan3A_358, %scan3A_359 : i32
    %scan3A_361 = arith.constant 1 : i32
    scf.for %scan3A_399 = %scan3A_358 to %scan3A_360 step %scan3A_361  : i32 {
      %add3A_400 = arith.constant 64 : i32
      %add3A_401 = arith.addi %add3A_400, %scan3A_399 : i32
      %swap3A = arith.index_cast %add3A_401 : i32 to index
      %swap3A_402 = arith.constant 0 : index
      %swap3A_403 = tpu.vector_load %arg6[%swap3A, %swap3A_402] {strides = array<i32>} : memref<128x512xf32, #tpu.memory_space<vmem>>, vector<1x16xf32>,
      %swap3A_404 = vector.shape_cast %swap3A_403 : vector<1x16xf32> to vector<16xf32>
      %swap3A_405 = vector.shape_cast %get3A_201 : vector<16xf32> to vector<1x16xf32>
      tpu.vector_store %arg6[%swap3A, %swap3A_402], %swap3A_405 {strides = array<i32>} : memref<128x512xf32, #tpu.memory_space<vmem>>, vector<1x16xf32>,
      %add3A_406 = arith.constant 64 : i32
      %add3A_407 = arith.addi %add3A_406, %scan3A_399 : i32
      %swap3A_408 = arith.index_cast %add3A_407 : i32 to index
      %swap3A_409 = arith.constant 16 : index
      %swap3A_410 = tpu.vector_load %arg6[%swap3A_408, %swap3A_409] {strides = array<i32>} : memref<128x512xf32, #tpu.memory_space<vmem>>, vector<1x16xf32>,
      %swap3A_411 = vector.shape_cast %swap3A_410 : vector<1x16xf32> to vector<16xf32>
      %swap3A_412 = vector.shape_cast %get3A_206 : vector<16xf32> to vector<1x16xf32>
      tpu.vector_store %arg6[%swap3A_408, %swap3A_409], %swap3A_412 {strides = array<i32>} : memref<128x512xf32, #tpu.memory_space<vmem>>, vector<1x16xf32>,
      %add3A_413 = arith.constant 64 : i32
      %add3A_414 = arith.addi %add3A_413, %scan3A_399 : i32
      %swap3A_415 = arith.index_cast %add3A_414 : i32 to index
      %swap3A_416 = arith.constant 32 : index
      %swap3A_417 = tpu.vector_load %arg6[%swap3A_415, %swap3A_416] {strides = array<i32>} : memref<128x512xf32, #tpu.memory_space<vmem>>, vector<1x16xf32>,
      %swap3A_418 = vector.shape_cast %swap3A_417 : vector<1x16xf32> to vector<16xf32>
      %swap3A_419 = vector.shape_cast %get3A_211 : vector<16xf32> to vector<1x16xf32>
      tpu.vector_store %arg6[%swap3A_415, %swap3A_416], %swap3A_419 {strides = array<i32>} : memref<128x512xf32, #tpu.memory_space<vmem>>, vector<1x16xf32>,
      %add3A_420 = arith.constant 64 : i32
      %add3A_421 = arith.addi %add3A_420, %scan3A_399 : i32
      %swap3A_422 = arith.index_cast %add3A_421 : i32 to index
      %swap3A_423 = arith.constant 48 : index
      %swap3A_424 = tpu.vector_load %arg6[%swap3A_422, %swap3A_423] {strides = array<i32>} : memref<128x512xf32, #tpu.memory_space<vmem>>, vector<1x16xf32>,
      %swap3A_425 = vector.shape_cast %swap3A_424 : vector<1x16xf32> to vector<16xf32>
      %swap3A_426 = vector.shape_cast %get3A_216 : vector<16xf32> to vector<1x16xf32>
      tpu.vector_store %arg6[%swap3A_422, %swap3A_423], %swap3A_426 {strides = array<i32>} : memref<128x512xf32, #tpu.memory_space<vmem>>, vector<1x16xf32>,
      %add3A_427 = arith.constant 64 : i32
      %add3A_428 = arith.addi %add3A_427, %scan3A_399 : i32
      %swap3A_429 = arith.index_cast %add3A_428 : i32 to index
      %swap3A_430 = arith.constant 64 : index
      %swap3A_431 = tpu.vector_load %arg6[%swap3A_429, %swap3A_430] {strides = array<i32>} : memref<128x512xf32, #tpu.memory_space<vmem>>, vector<1x16xf32>,
      %swap3A_432 = vector.shape_cast %swap3A_431 : vector<1x16xf32> to vector<16xf32>
      %swap3A_433 = vector.shape_cast %get3A_221 : vector<16xf32> to vector<1x16xf32>
      tpu.vector_store %arg6[%swap3A_429, %swap3A_430], %swap3A_433 {strides = array<i32>} : memref<128x512xf32, #tpu.memory_space<vmem>>, vector<1x16xf32>,
      %add3A_434 = arith.constant 64 : i32
      %add3A_435 = arith.addi %add3A_434, %scan3A_399 : i32
      %swap3A_436 = arith.index_cast %add3A_435 : i32 to index
      %swap3A_437 = arith.constant 80 : index
      %swap3A_438 = tpu.vector_load %arg6[%swap3A_436, %swap3A_437] {strides = array<i32>} : memref<128x512xf32, #tpu.memory_space<vmem>>, vector<1x16xf32>,
      %swap3A_439 = vector.shape_cast %swap3A_438 : vector<1x16xf32> to vector<16xf32>
      %swap3A_440 = vector.shape_cast %get3A_226 : vector<16xf32> to vector<1x16xf32>
      tpu.vector_store %arg6[%swap3A_436, %swap3A_437], %swap3A_440 {strides = array<i32>} : memref<128x512xf32, #tpu.memory_space<vmem>>, vector<1x16xf32>,
      %add3A_441 = arith.constant 64 : i32
      %add3A_442 = arith.addi %add3A_441, %scan3A_399 : i32
      %swap3A_443 = arith.index_cast %add3A_442 : i32 to index
      %swap3A_444 = arith.constant 96 : index
      %swap3A_445 = tpu.vector_load %arg6[%swap3A_443, %swap3A_444] {strides = array<i32>} : memref<128x512xf32, #tpu.memory_space<vmem>>, vector<1x16xf32>,
      %swap3A_446 = vector.shape_cast %swap3A_445 : vector<1x16xf32> to vector<16xf32>
      %swap3A_447 = vector.shape_cast %get3A_231 : vector<16xf32> to vector<1x16xf32>
      tpu.vector_store %arg6[%swap3A_443, %swap3A_444], %swap3A_447 {strides = array<i32>} : memref<128x512xf32, #tpu.memory_space<vmem>>, vector<1x16xf32>,
      %add3A_448 = arith.constant 64 : i32
      %add3A_449 = arith.addi %add3A_448, %scan3A_399 : i32
      %swap3A_450 = arith.index_cast %add3A_449 : i32 to index
      %swap3A_451 = arith.constant 112 : index
      %swap3A_452 = tpu.vector_load %arg6[%swap3A_450, %swap3A_451] {strides = array<i32>} : memref<128x512xf32, #tpu.memory_space<vmem>>, vector<1x16xf32>,
      %swap3A_453 = vector.shape_cast %swap3A_452 : vector<1x16xf32> to vector<16xf32>
      %swap3A_454 = vector.shape_cast %get3A_236 : vector<16xf32> to vector<1x16xf32>
      tpu.vector_store %arg6[%swap3A_450, %swap3A_451], %swap3A_454 {strides = array<i32>} : memref<128x512xf32, #tpu.memory_space<vmem>>, vector<1x16xf32>,
      %add3A_455 = arith.constant 64 : i32
      %add3A_456 = arith.addi %add3A_455, %scan3A_399 : i32
      %swap3A_457 = arith.index_cast %add3A_456 : i32 to index
      %swap3A_458 = arith.constant 128 : index
      %swap3A_459 = tpu.vector_load %arg6[%swap3A_457, %swap3A_458] {strides = array<i32>} : memref<128x512xf32, #tpu.memory_space<vmem>>, vector<1x16xf32>,
      %swap3A_460 = vector.shape_cast %swap3A_459 : vector<1x16xf32> to vector<16xf32>
      %swap3A_461 = vector.shape_cast %get3A_241 : vector<16xf32> to vector<1x16xf32>
      tpu.vector_store %arg6[%swap3A_457, %swap3A_458], %swap3A_461 {strides = array<i32>} : memref<128x512xf32, #tpu.memory_space<vmem>>, vector<1x16xf32>,
      %add3A_462 = arith.constant 64 : i32
      %add3A_463 = arith.addi %add3A_462, %scan3A_399 : i32
      %swap3A_464 = arith.index_cast %add3A_463 : i32 to index
      %swap3A_465 = arith.constant 144 : index
      %swap3A_466 = tpu.vector_load %arg6[%swap3A_464, %swap3A_465] {strides = array<i32>} : memref<128x512xf32, #tpu.memory_space<vmem>>, vector<1x16xf32>,
      %swap3A_467 = vector.shape_cast %swap3A_466 : vector<1x16xf32> to vector<16xf32>
      %swap3A_468 = vector.shape_cast %get3A_246 : vector<16xf32> to vector<1x16xf32>
      tpu.vector_store %arg6[%swap3A_464, %swap3A_465], %swap3A_468 {strides = array<i32>} : memref<128x512xf32, #tpu.memory_space<vmem>>, vector<1x16xf32>,
      %add3A_469 = arith.constant 64 : i32
      %add3A_470 = arith.addi %add3A_469, %scan3A_399 : i32
      %swap3A_471 = arith.index_cast %add3A_470 : i32 to index
      %swap3A_472 = arith.constant 160 : index
      %swap3A_473 = tpu.vector_load %arg6[%swap3A_471, %swap3A_472] {strides = array<i32>} : memref<128x512xf32, #tpu.memory_space<vmem>>, vector<1x16xf32>,
      %swap3A_474 = vector.shape_cast %swap3A_473 : vector<1x16xf32> to vector<16xf32>
      %swap3A_475 = vector.shape_cast %get3A_251 : vector<16xf32> to vector<1x16xf32>
      tpu.vector_store %arg6[%swap3A_471, %swap3A_472], %swap3A_475 {strides = array<i32>} : memref<128x512xf32, #tpu.memory_space<vmem>>, vector<1x16xf32>,
      %add3A_476 = arith.constant 64 : i32
      %add3A_477 = arith.addi %add3A_476, %scan3A_399 : i32
      %swap3A_478 = arith.index_cast %add3A_477 : i32 to index
      %swap3A_479 = arith.constant 176 : index
      %swap3A_480 = tpu.vector_load %arg6[%swap3A_478, %swap3A_479] {strides = array<i32>} : memref<128x512xf32, #tpu.memory_space<vmem>>, vector<1x16xf32>,
      %swap3A_481 = vector.shape_cast %swap3A_480 : vector<1x16xf32> to vector<16xf32>
      %swap3A_482 = vector.shape_cast %get3A_256 : vector<16xf32> to vector<1x16xf32>
      tpu.vector_store %arg6[%swap3A_478, %swap3A_479], %swap3A_482 {strides = array<i32>} : memref<128x512xf32, #tpu.memory_space<vmem>>, vector<1x16xf32>,
      %add3A_483 = arith.constant 64 : i32
      %add3A_484 = arith.addi %add3A_483, %scan3A_399 : i32
      %swap3A_485 = arith.index_cast %add3A_484 : i32 to index
      %swap3A_486 = arith.constant 192 : index
      %swap3A_487 = tpu.vector_load %arg6[%swap3A_485, %swap3A_486] {strides = array<i32>} : memref<128x512xf32, #tpu.memory_space<vmem>>, vector<1x16xf32>,
      %swap3A_488 = vector.shape_cast %swap3A_487 : vector<1x16xf32> to vector<16xf32>
      %swap3A_489 = vector.shape_cast %get3A_261 : vector<16xf32> to vector<1x16xf32>
      tpu.vector_store %arg6[%swap3A_485, %swap3A_486], %swap3A_489 {strides = array<i32>} : memref<128x512xf32, #tpu.memory_space<vmem>>, vector<1x16xf32>,
      %add3A_490 = arith.constant 64 : i32
      %add3A_491 = arith.addi %add3A_490, %scan3A_399 : i32
      %swap3A_492 = arith.index_cast %add3A_491 : i32 to index
      %swap3A_493 = arith.constant 208 : index
      %swap3A_494 = tpu.vector_load %arg6[%swap3A_492, %swap3A_493] {strides = array<i32>} : memref<128x512xf32, #tpu.memory_space<vmem>>, vector<1x16xf32>,
      %swap3A_495 = vector.shape_cast %swap3A_494 : vector<1x16xf32> to vector<16xf32>
      %swap3A_496 = vector.shape_cast %get3A_266 : vector<16xf32> to vector<1x16xf32>
      tpu.vector_store %arg6[%swap3A_492, %swap3A_493], %swap3A_496 {strides = array<i32>} : memref<128x512xf32, #tpu.memory_space<vmem>>, vector<1x16xf32>,
      %add3A_497 = arith.constant 64 : i32
      %add3A_498 = arith.addi %add3A_497, %scan3A_399 : i32
      %swap3A_499 = arith.index_cast %add3A_498 : i32 to index
      %swap3A_500 = arith.constant 224 : index
      %swap3A_501 = tpu.vector_load %arg6[%swap3A_499, %swap3A_500] {strides = array<i32>} : memref<128x512xf32, #tpu.memory_space<vmem>>, vector<1x16xf32>,
      %swap3A_502 = vector.shape_cast %swap3A_501 : vector<1x16xf32> to vector<16xf32>
      %swap3A_503 = vector.shape_cast %get3A_271 : vector<16xf32> to vector<1x16xf32>
      tpu.vector_store %arg6[%swap3A_499, %swap3A_500], %swap3A_503 {strides = array<i32>} : memref<128x512xf32, #tpu.memory_space<vmem>>, vector<1x16xf32>,
      %add3A_504 = arith.constant 64 : i32
      %add3A_505 = arith.addi %add3A_504, %scan3A_399 : i32
      %swap3A_506 = arith.index_cast %add3A_505 : i32 to index
      %swap3A_507 = arith.constant 240 : index
      %swap3A_508 = tpu.vector_load %arg6[%swap3A_506, %swap3A_507] {strides = array<i32>} : memref<128x512xf32, #tpu.memory_space<vmem>>, vector<1x16xf32>,
      %swap3A_509 = vector.shape_cast %swap3A_508 : vector<1x16xf32> to vector<16xf32>
      %swap3A_510 = vector.shape_cast %get3A_276 : vector<16xf32> to vector<1x16xf32>
      tpu.vector_store %arg6[%swap3A_506, %swap3A_507], %swap3A_510 {strides = array<i32>} : memref<128x512xf32, #tpu.memory_space<vmem>>, vector<1x16xf32>,
      %add3A_511 = arith.constant 64 : i32
      %add3A_512 = arith.addi %add3A_511, %scan3A_399 : i32
      %swap3A_513 = arith.index_cast %add3A_512 : i32 to index
      %swap3A_514 = arith.constant 256 : index
      %swap3A_515 = tpu.vector_load %arg6[%swap3A_513, %swap3A_514] {strides = array<i32>} : memref<128x512xf32, #tpu.memory_space<vmem>>, vector<1x16xf32>,
      %swap3A_516 = vector.shape_cast %swap3A_515 : vector<1x16xf32> to vector<16xf32>
      %swap3A_517 = vector.shape_cast %get3A_281 : vector<16xf32> to vector<1x16xf32>
      tpu.vector_store %arg6[%swap3A_513, %swap3A_514], %swap3A_517 {strides = array<i32>} : memref<128x512xf32, #tpu.memory_space<vmem>>, vector<1x16xf32>,
      %add3A_518 = arith.constant 64 : i32
      %add3A_519 = arith.addi %add3A_518, %scan3A_399 : i32
      %swap3A_520 = arith.index_cast %add3A_519 : i32 to index
      %swap3A_521 = arith.constant 272 : index
      %swap3A_522 = tpu.vector_load %arg6[%swap3A_520, %swap3A_521] {strides = array<i32>} : memref<128x512xf32, #tpu.memory_space<vmem>>, vector<1x16xf32>,
      %swap3A_523 = vector.shape_cast %swap3A_522 : vector<1x16xf32> to vector<16xf32>
      %swap3A_524 = vector.shape_cast %get3A_286 : vector<16xf32> to vector<1x16xf32>
      tpu.vector_store %arg6[%swap3A_520, %swap3A_521], %swap3A_524 {strides = array<i32>} : memref<128x512xf32, #tpu.memory_space<vmem>>, vector<1x16xf32>,
      %add3A_525 = arith.constant 64 : i32
      %add3A_526 = arith.addi %add3A_525, %scan3A_399 : i32
      %swap3A_527 = arith.index_cast %add3A_526 : i32 to index
      %swap3A_528 = arith.constant 288 : index
      %swap3A_529 = tpu.vector_load %arg6[%swap3A_527, %swap3A_528] {strides = array<i32>} : memref<128x512xf32, #tpu.memory_space<vmem>>, vector<1x16xf32>,
      %swap3A_530 = vector.shape_cast %swap3A_529 : vector<1x16xf32> to vector<16xf32>
      %swap3A_531 = vector.shape_cast %get3A_291 : vector<16xf32> to vector<1x16xf32>
      tpu.vector_store %arg6[%swap3A_527, %swap3A_528], %swap3A_531 {strides = array<i32>} : memref<128x512xf32, #tpu.memory_space<vmem>>, vector<1x16xf32>,
      %add3A_532 = arith.constant 64 : i32
      %add3A_533 = arith.addi %add3A_532, %scan3A_399 : i32
      %swap3A_534 = arith.index_cast %add3A_533 : i32 to index
      %swap3A_535 = arith.constant 304 : index
      %swap3A_536 = tpu.vector_load %arg6[%swap3A_534, %swap3A_535] {strides = array<i32>} : memref<128x512xf32, #tpu.memory_space<vmem>>, vector<1x16xf32>,
      %swap3A_537 = vector.shape_cast %swap3A_536 : vector<1x16xf32> to vector<16xf32>
      %swap3A_538 = vector.shape_cast %get3A_296 : vector<16xf32> to vector<1x16xf32>
      tpu.vector_store %arg6[%swap3A_534, %swap3A_535], %swap3A_538 {strides = array<i32>} : memref<128x512xf32, #tpu.memory_space<vmem>>, vector<1x16xf32>,
      %add3A_539 = arith.constant 64 : i32
      %add3A_540 = arith.addi %add3A_539, %scan3A_399 : i32
      %swap3A_541 = arith.index_cast %add3A_540 : i32 to index
      %swap3A_542 = arith.constant 320 : index
      %swap3A_543 = tpu.vector_load %arg6[%swap3A_541, %swap3A_542] {strides = array<i32>} : memref<128x512xf32, #tpu.memory_space<vmem>>, vector<1x16xf32>,
      %swap3A_544 = vector.shape_cast %swap3A_543 : vector<1x16xf32> to vector<16xf32>
      %swap3A_545 = vector.shape_cast %get3A_301 : vector<16xf32> to vector<1x16xf32>
      tpu.vector_store %arg6[%swap3A_541, %swap3A_542], %swap3A_545 {strides = array<i32>} : memref<128x512xf32, #tpu.memory_space<vmem>>, vector<1x16xf32>,
      %add3A_546 = arith.constant 64 : i32
      %add3A_547 = arith.addi %add3A_546, %scan3A_399 : i32
      %swap3A_548 = arith.index_cast %add3A_547 : i32 to index
      %swap3A_549 = arith.constant 336 : index
      %swap3A_550 = tpu.vector_load %arg6[%swap3A_548, %swap3A_549] {strides = array<i32>} : memref<128x512xf32, #tpu.memory_space<vmem>>, vector<1x16xf32>,
      %swap3A_551 = vector.shape_cast %swap3A_550 : vector<1x16xf32> to vector<16xf32>
      %swap3A_552 = vector.shape_cast %get3A_306 : vector<16xf32> to vector<1x16xf32>
      tpu.vector_store %arg6[%swap3A_548, %swap3A_549], %swap3A_552 {strides = array<i32>} : memref<128x512xf32, #tpu.memory_space<vmem>>, vector<1x16xf32>,
      %add3A_553 = arith.constant 64 : i32
      %add3A_554 = arith.addi %add3A_553, %scan3A_399 : i32
      %swap3A_555 = arith.index_cast %add3A_554 : i32 to index
      %swap3A_556 = arith.constant 352 : index
      %swap3A_557 = tpu.vector_load %arg6[%swap3A_555, %swap3A_556] {strides = array<i32>} : memref<128x512xf32, #tpu.memory_space<vmem>>, vector<1x16xf32>,
      %swap3A_558 = vector.shape_cast %swap3A_557 : vector<1x16xf32> to vector<16xf32>
      %swap3A_559 = vector.shape_cast %get3A_311 : vector<16xf32> to vector<1x16xf32>
      tpu.vector_store %arg6[%swap3A_555, %swap3A_556], %swap3A_559 {strides = array<i32>} : memref<128x512xf32, #tpu.memory_space<vmem>>, vector<1x16xf32>,
      %add3A_560 = arith.constant 64 : i32
      %add3A_561 = arith.addi %add3A_560, %scan3A_399 : i32
      %swap3A_562 = arith.index_cast %add3A_561 : i32 to index
      %swap3A_563 = arith.constant 368 : index
      %swap3A_564 = tpu.vector_load %arg6[%swap3A_562, %swap3A_563] {strides = array<i32>} : memref<128x512xf32, #tpu.memory_space<vmem>>, vector<1x16xf32>,
      %swap3A_565 = vector.shape_cast %swap3A_564 : vector<1x16xf32> to vector<16xf32>
      %swap3A_566 = vector.shape_cast %get3A_316 : vector<16xf32> to vector<1x16xf32>
      tpu.vector_store %arg6[%swap3A_562, %swap3A_563], %swap3A_566 {strides = array<i32>} : memref<128x512xf32, #tpu.memory_space<vmem>>, vector<1x16xf32>,
      %add3A_567 = arith.constant 64 : i32
      %add3A_568 = arith.addi %add3A_567, %scan3A_399 : i32
      %swap3A_569 = arith.index_cast %add3A_568 : i32 to index
      %swap3A_570 = arith.constant 384 : index
      %swap3A_571 = tpu.vector_load %arg6[%swap3A_569, %swap3A_570] {strides = array<i32>} : memref<128x512xf32, #tpu.memory_space<vmem>>, vector<1x16xf32>,
      %swap3A_572 = vector.shape_cast %swap3A_571 : vector<1x16xf32> to vector<16xf32>
      %swap3A_573 = vector.shape_cast %get3A_321 : vector<16xf32> to vector<1x16xf32>
      tpu.vector_store %arg6[%swap3A_569, %swap3A_570], %swap3A_573 {strides = array<i32>} : memref<128x512xf32, #tpu.memory_space<vmem>>, vector<1x16xf32>,
      %add3A_574 = arith.constant 64 : i32
      %add3A_575 = arith.addi %add3A_574, %scan3A_399 : i32
      %swap3A_576 = arith.index_cast %add3A_575 : i32 to index
      %swap3A_577 = arith.constant 400 : index
      %swap3A_578 = tpu.vector_load %arg6[%swap3A_576, %swap3A_577] {strides = array<i32>} : memref<128x512xf32, #tpu.memory_space<vmem>>, vector<1x16xf32>,
      %swap3A_579 = vector.shape_cast %swap3A_578 : vector<1x16xf32> to vector<16xf32>
      %swap3A_580 = vector.shape_cast %get3A_326 : vector<16xf32> to vector<1x16xf32>
      tpu.vector_store %arg6[%swap3A_576, %swap3A_577], %swap3A_580 {strides = array<i32>} : memref<128x512xf32, #tpu.memory_space<vmem>>, vector<1x16xf32>,
      %add3A_581 = arith.constant 64 : i32
      %add3A_582 = arith.addi %add3A_581, %scan3A_399 : i32
      %swap3A_583 = arith.index_cast %add3A_582 : i32 to index
      %swap3A_584 = arith.constant 416 : index
      %swap3A_585 = tpu.vector_load %arg6[%swap3A_583, %swap3A_584] {strides = array<i32>} : memref<128x512xf32, #tpu.memory_space<vmem>>, vector<1x16xf32>,
      %swap3A_586 = vector.shape_cast %swap3A_585 : vector<1x16xf32> to vector<16xf32>
      %swap3A_587 = vector.shape_cast %get3A_331 : vector<16xf32> to vector<1x16xf32>
      tpu.vector_store %arg6[%swap3A_583, %swap3A_584], %swap3A_587 {strides = array<i32>} : memref<128x512xf32, #tpu.memory_space<vmem>>, vector<1x16xf32>,
      %add3A_588 = arith.constant 64 : i32
      %add3A_589 = arith.addi %add3A_588, %scan3A_399 : i32
      %swap3A_590 = arith.index_cast %add3A_589 : i32 to index
      %swap3A_591 = arith.constant 432 : index
      %swap3A_592 = tpu.vector_load %arg6[%swap3A_590, %swap3A_591] {strides = array<i32>} : memref<128x512xf32, #tpu.memory_space<vmem>>, vector<1x16xf32>,
      %swap3A_593 = vector.shape_cast %swap3A_592 : vector<1x16xf32> to vector<16xf32>
      %swap3A_594 = vector.shape_cast %get3A_336 : vector<16xf32> to vector<1x16xf32>
      tpu.vector_store %arg6[%swap3A_590, %swap3A_591], %swap3A_594 {strides = array<i32>} : memref<128x512xf32, #tpu.memory_space<vmem>>, vector<1x16xf32>,
      %add3A_595 = arith.constant 64 : i32
      %add3A_596 = arith.addi %add3A_595, %scan3A_399 : i32
      %swap3A_597 = arith.index_cast %add3A_596 : i32 to index
      %swap3A_598 = arith.constant 448 : index
      %swap3A_599 = tpu.vector_load %arg6[%swap3A_597, %swap3A_598] {strides = array<i32>} : memref<128x512xf32, #tpu.memory_space<vmem>>, vector<1x16xf32>,
      %swap3A_600 = vector.shape_cast %swap3A_599 : vector<1x16xf32> to vector<16xf32>
      %swap3A_601 = vector.shape_cast %get3A_341 : vector<16xf32> to vector<1x16xf32>
      tpu.vector_store %arg6[%swap3A_597, %swap3A_598], %swap3A_601 {strides = array<i32>} : memref<128x512xf32, #tpu.memory_space<vmem>>, vector<1x16xf32>,
      %add3A_602 = arith.constant 64 : i32
      %add3A_603 = arith.addi %add3A_602, %scan3A_399 : i32
      %swap3A_604 = arith.index_cast %add3A_603 : i32 to index
      %swap3A_605 = arith.constant 464 : index
      %swap3A_606 = tpu.vector_load %arg6[%swap3A_604, %swap3A_605] {strides = array<i32>} : memref<128x512xf32, #tpu.memory_space<vmem>>, vector<1x16xf32>,
      %swap3A_607 = vector.shape_cast %swap3A_606 : vector<1x16xf32> to vector<16xf32>
      %swap3A_608 = vector.shape_cast %get3A_346 : vector<16xf32> to vector<1x16xf32>
      tpu.vector_store %arg6[%swap3A_604, %swap3A_605], %swap3A_608 {strides = array<i32>} : memref<128x512xf32, #tpu.memory_space<vmem>>, vector<1x16xf32>,
      %add3A_609 = arith.constant 64 : i32
      %add3A_610 = arith.addi %add3A_609, %scan3A_399 : i32
      %swap3A_611 = arith.index_cast %add3A_610 : i32 to index
      %swap3A_612 = arith.constant 480 : index
      %swap3A_613 = tpu.vector_load %arg6[%swap3A_611, %swap3A_612] {strides = array<i32>} : memref<128x512xf32, #tpu.memory_space<vmem>>, vector<1x16xf32>,
      %swap3A_614 = vector.shape_cast %swap3A_613 : vector<1x16xf32> to vector<16xf32>
      %swap3A_615 = vector.shape_cast %get3A_351 : vector<16xf32> to vector<1x16xf32>
      tpu.vector_store %arg6[%swap3A_611, %swap3A_612], %swap3A_615 {strides = array<i32>} : memref<128x512xf32, #tpu.memory_space<vmem>>, vector<1x16xf32>,
      %add3A_616 = arith.constant 64 : i32
      %add3A_617 = arith.addi %add3A_616, %scan3A_399 : i32
      %swap3A_618 = arith.index_cast %add3A_617 : i32 to index
      %swap3A_619 = arith.constant 496 : index
      %swap3A_620 = tpu.vector_load %arg6[%swap3A_618, %swap3A_619] {strides = array<i32>} : memref<128x512xf32, #tpu.memory_space<vmem>>, vector<1x16xf32>,
      %swap3A_621 = vector.shape_cast %swap3A_620 : vector<1x16xf32> to vector<16xf32>
      %swap3A_622 = vector.shape_cast %get3A_356 : vector<16xf32> to vector<1x16xf32>
      tpu.vector_store %arg6[%swap3A_618, %swap3A_619], %swap3A_622 {strides = array<i32>} : memref<128x512xf32, #tpu.memory_space<vmem>>, vector<1x16xf32>,
    }
    %scan3A_362 = arith.constant 64 : i32
    %add3A_363 = arith.constant 64 : i32
    %add3A_364 = arith.addi %mul3A_2, %add3A_363 : i32
    %dma_start3A_365 = arith.constant 64 : i32
    %dma_start3A_366 = arith.constant 0 : i32
    %dma_start3A_367 = tpu.memref_slice %arg6[%dma_start3A_365, %dma_start3A_366] : memref<128x512xf32, #tpu.memory_space<vmem>> -> memref<64x512xf32, #tpu.memory_space<vmem>>
    %dma_start3A_368 = arith.constant 0 : i32
    %dma_start3A_369 = tpu.memref_slice %arg4[%add3A_364, %dma_start3A_368] : memref<4096x1024xf32, #tpu.memory_space<hbm>> -> memref<64x512xf32, #tpu.memory_space<hbm>>
    %dma_start3A_370 = arith.constant 0 : i32
    %dma_start3A_371 = tpu.memref_slice %arg4[%add3A_364, %dma_start3A_370] : memref<4096x1024xf32, #tpu.memory_space<hbm>> -> memref<64x512xf32, #tpu.memory_space<hbm>>
    %dma_start3A_372 = arith.constant 64 : i32
    %dma_start3A_373 = arith.constant 0 : i32
    %dma_start3A_374 = tpu.memref_slice %arg6[%dma_start3A_372, %dma_start3A_373] : memref<128x512xf32, #tpu.memory_space<vmem>> -> memref<64x512xf32, #tpu.memory_space<vmem>>
    tpu.enqueue_dma source(%dma_start3A_374 : memref<64x512xf32, #tpu.memory_space<vmem>>) target(%dma_start3A_371 : memref<64x512xf32, #tpu.memory_space<hbm>>) target_semaphore(%arg9 : memref<!tpu.dma_semaphore, #tpu.memory_space<semaphore_mem>>)
    %dma_wait3A_375 = arith.constant 512 : i32
    %dma_wait3A_376 = tpu.memref_slice %arg4[%add3A_11, %dma_wait3A_375] : memref<4096x1024xf32, #tpu.memory_space<hbm>> -> memref<64x512xf32, #tpu.memory_space<hbm>>
    tpu.wait_dma2 semaphore(%arg9 : memref<!tpu.dma_semaphore, #tpu.memory_space<semaphore_mem>>) src(%arg7 : memref<64x512xf32, #tpu.memory_space<vmem_shared>>) dst(%dma_wait3A_376 : memref<64x512xf32, #tpu.memory_space<hbm>>)
    %dma_wait3A_377 = arith.constant 512 : i32
    %dma_wait3A_378 = tpu.memref_slice %arg4[%add3A_15, %dma_wait3A_377] : memref<4096x1024xf32, #tpu.memory_space<hbm>> -> memref<64x512xf32, #tpu.memory_space<hbm>>
    tpu.wait_dma2 semaphore(%arg9 : memref<!tpu.dma_semaphore, #tpu.memory_space<semaphore_mem>>) src(%arg7 : memref<64x512xf32, #tpu.memory_space<vmem_shared>>) dst(%dma_wait3A_378 : memref<64x512xf32, #tpu.memory_space<hbm>>)
    %dma_wait3A_379 = arith.constant 0 : i32
    %dma_wait3A_380 = arith.constant 0 : i32
    %dma_wait3A_381 = tpu.memref_slice %arg6[%dma_wait3A_379, %dma_wait3A_380] : memref<128x512xf32, #tpu.memory_space<vmem>> -> memref<64x512xf32, #tpu.memory_space<vmem>>
    %dma_wait3A_382 = arith.constant 0 : i32
    %dma_wait3A_383 = tpu.memref_slice %arg4[%add3A_186, %dma_wait3A_382] : memref<4096x1024xf32, #tpu.memory_space<hbm>> -> memref<64x512xf32, #tpu.memory_space<hbm>>
    %dma_wait3A_384 = arith.constant 0 : i32
    %dma_wait3A_385 = tpu.memref_slice %arg4[%add3A_186, %dma_wait3A_384] : memref<4096x1024xf32, #tpu.memory_space<hbm>> -> memref<64x512xf32, #tpu.memory_space<hbm>>
    %dma_wait3A_386 = arith.constant 0 : i32
    %dma_wait3A_387 = arith.constant 0 : i32
    %dma_wait3A_388 = tpu.memref_slice %arg6[%dma_wait3A_386, %dma_wait3A_387] : memref<128x512xf32, #tpu.memory_space<vmem>> -> memref<64x512xf32, #tpu.memory_space<vmem>>
    tpu.wait_dma2 semaphore(%arg9 : memref<!tpu.dma_semaphore, #tpu.memory_space<semaphore_mem>>) src(%dma_wait3A_388 : memref<64x512xf32, #tpu.memory_space<vmem>>) dst(%dma_wait3A_385 : memref<64x512xf32, #tpu.memory_space<hbm>>)
    %dma_wait3A_389 = arith.constant 64 : i32
    %dma_wait3A_390 = arith.constant 0 : i32
    %dma_wait3A_391 = tpu.memref_slice %arg6[%dma_wait3A_389, %dma_wait3A_390] : memref<128x512xf32, #tpu.memory_space<vmem>> -> memref<64x512xf32, #tpu.memory_space<vmem>>
    %dma_wait3A_392 = arith.constant 0 : i32
    %dma_wait3A_393 = tpu.memref_slice %arg4[%add3A_364, %dma_wait3A_392] : memref<4096x1024xf32, #tpu.memory_space<hbm>> -> memref<64x512xf32, #tpu.memory_space<hbm>>
    %dma_wait3A_394 = arith.constant 0 : i32
    %dma_wait3A_395 = tpu.memref_slice %arg4[%add3A_364, %dma_wait3A_394] : memref<4096x1024xf32, #tpu.memory_space<hbm>> -> memref<64x512xf32, #tpu.memory_space<hbm>>
    %dma_wait3A_396 = arith.constant 64 : i32
    %dma_wait3A_397 = arith.constant 0 : i32
    %dma_wait3A_398 = tpu.memref_slice %arg6[%dma_wait3A_396, %dma_wait3A_397] : memref<128x512xf32, #tpu.memory_space<vmem>> -> memref<64x512xf32, #tpu.memory_space<vmem>>
    tpu.wait_dma2 semaphore(%arg9 : memref<!tpu.dma_semaphore, #tpu.memory_space<semaphore_mem>>) src(%dma_wait3A_398 : memref<64x512xf32, #tpu.memory_space<vmem>>) dst(%dma_wait3A_395 : memref<64x512xf32, #tpu.memory_space<hbm>>)
    return
  }
}

</mosaic_0001>

<sc_bundles>
// kernel: kernel.3.cloned.1.call-start
scs
__scs_entry_jumppad:
0x0: {  	(pc) =	sbr.rel $0x88, $3  }
0x1: {  	(tag) =	ssettag $0x0;
	lr =	simm.s32 $0x1  }
0x2: {  	[smem:$0x3F9F] =	sst lr;
	_ =	strace $0xD0000000  }
0x3: {  	_ = 	snop  }
0x4: {  	_ = 	snop  }
0x5: {  	_ = 	snop  }
0x6: {  	_ = 	snop  }
0x7: {  	_ = 	snop  }
__scs_overlays_trampoline_lowered:
0x8: {  	[smem:$0x3FAE] =	sst s0  }
0x9: {  	[smem:$0x3FAF] =	sst s1  }
0xa: {  	[smem:$0x3FB0] =	sst s2  }
0xb: {  	[smem:$0x3FB1] =	sst s3  }
0xc: {  	[smem:$0x3FB2] =	sst s4  }
0xd: {  	[smem:$0x3FB3] =	sst s5  }
0xe: {  	[smem:$0x3FB4] =	sst s6  }
0xf: {  	[smem:$0x3FB5] =	sst s7  }
0x10: {  	[smem:$0x3FB6] =	sst s8  }
0x11: {  	[smem:$0x3FB7] =	sst s9;
	s0 =	simm.s32 @!p0 $0x0  }
0x12: {  	s1 =	sld [smem:$0x3F9D];
	s0 =	simm.s32 @p0 $0x1  }
0x13: {  	[smem:$0x3FB8] =	sst s0;
	s0 =	simm.s32 @!p1 $0x0  }
0x14: {  	s2 =	sld [smem:$0x3F9C];
	s0 =	simm.s32 @p1 $0x1  }
0x15: {  	[smem:$0x3FB9] =	sst s0;
	s0 =	simm.s32 @!p2 $0x0  }
0x16: {  	s3 =	sld [smem:$0x3FDB];
	s0 =	simm.s32 @p2 $0x1  }
0x17: {  	s4 =	simm.s32 $0x1BF5;
	[smem:$0x3FBB] =	sst s0  }
0x18: {  	s0 =	sld [smem:$0x3F9E];
	_ =	swait.ge [sflag:s4], $0x0  }
0x19: {  	s7 =	sld [smem:$0x3F9F]  }
0x1a: {  	s8 =	sadd.s32 $0xFFFFE003, lr  }
0x1b: {  	s9 =	sadd.s32 $0xFFFFFEF7, lr;
	s5 =	simm.s32 $0xFFFFFFFF;
	p2 =	slt.u32 s8, $0xFFFFF086  }
0x1c: {  	p1 =	slt.u32 s9, $0xF7A;
	s5 =	simm.s32 @!p2 $0x0  }
0x1d: {  	s5 =	simm.s32 @p1 $0x1;
	p0 =	seq.s32 s7, s2  }
0x1e: {  	s7 =	smul.u32 @!p0 $0xF7A, s2;
	p2 =	seq.s32 @!p0 s5, $0x0  }
0x1f: {  	s9 =	smul.u32 $0xF7A, s1;
	s8 =	simm.s32 @!p0 $0x1BF5;
	p2 =	por !p2, p0  }
0x20: {  	[sflag:s8] =	ssyncset.s32 @!p0 $0xFFFFF086;
	s6 =	sadd.s32 @!p0 s3, s7;
	s7 =	simm.s32 @!p0 $0x108  }
0x21: {  	s3 =	sadd.s32 s3, s9;
	s6 =	sadd.s32 @!p0 $0x88, s6;
	s7 =	simm.s32 @p2 $0x1082  }
0x22: {  	[simem:s7], [sflag:s8] =	dma.local @!p0 [hbm:s6], $0xF7A  }
0x23: {  	s9 =	sor.u32 $0xD0000000, s2;
	s6 =	simm.s32 $0x108;
	_ =	swait.ge @!p0 [sflag:s8], $0x0  }
0x24: {  	s3 =	sadd.s32 $0x88, s3;
	s6 =	simm.s32 @!p1 $0x1082;
	[sflag:s4] =	ssyncset.s32 $0xFFFFF086  }
0x25: {  	[simem:s6], [sflag:s4] =	dma.local [hbm:s3], $0xF7A  }
0x26: {  	[smem:$0x3F9F] =	sst s1;
	(tag) =	ssettag s2;
	_ =	strace s9  }
0x27: {  	s1 =	sld [smem:$0x3FAF]  }
0x28: {  	s2 =	sld [smem:$0x3FB0]  }
0x29: {  	s4 =	sld [smem:$0x3FB2]  }
0x2a: {  	p0 =	seq.s32 s5, $0x0;
	s5 =	sld [smem:$0x3FB3]  }
0x2b: {  	s6 =	sld [smem:$0x3FB4]  }
0x2c: {  	s7 =	sld [smem:$0x3FB5]  }
0x2d: {  	s3 =	simm.s32 $0x108;
	s8 =	sld [smem:$0x3FB6]  }
0x2e: {  	s3 =	simm.s32 @!p0 $0x1082;
	s9 =	sld [smem:$0x3FB7]  }
0x2f: {  	lr =	sadd.s32 s0, s3;
	s0 =	sld [smem:$0x3FAE]  }
0x30: {  	s3 =	sld [smem:$0x3FB1]  }
0x31: {  	[smem:$0x3FBA] =	sst s10  }
0x32: {  	s10 =	sld [smem:$0x3FB8];
	_ =	sdelay $0x3  }
0x33: {  	p0 =	seq.s32 s10, $0x1;
	s10 =	sld [smem:$0x3FBA];
	_ =	sdelay $0x3  }
0x34: {  	[smem:$0x3FBA] =	sst s10  }
0x35: {  	s10 =	sld [smem:$0x3FB9];
	_ =	sdelay $0x3  }
0x36: {  	p1 =	seq.s32 s10, $0x1;
	s10 =	sld [smem:$0x3FBA];
	_ =	sdelay $0x3  }
0x37: {  	[smem:$0x3FBA] =	sst s10  }
0x38: {  	s10 =	sld [smem:$0x3FBB]  }
0x39: {  	_ = 	snop;
	(pc) =	sbr.ind lr, $3  }
0x3a: {  	_ = 	snop  }
0x3b: {  	_ = 	snop  }
0x3c: {  	p2 =	seq.s32 s10, $0x1;
	s10 =	sld [smem:$0x3FBA]  }
0x3d: {  	_ =	shalt  }
0x3e: {  	_ =	shalt  }
0x3f: {  	_ =	shalt  }
0x40: {  	_ =	shalt  }
0x41: {  	_ =	shalt  }
0x42: {  	_ =	shalt  }
0x43: {  	_ =	shalt  }
0x44: {  	_ =	shalt  }
0x45: {  	_ =	shalt  }
0x46: {  	_ =	shalt  }
0x47: {  	_ =	shalt  }
0x48: {  	_ =	shalt  }
0x49: {  	_ =	shalt  }
0x4a: {  	_ =	shalt  }
0x4b: {  	_ =	shalt  }
0x4c: {  	_ =	shalt  }
0x4d: {  	_ =	shalt  }
0x4e: {  	_ =	shalt  }
0x4f: {  	_ =	shalt  }
0x50: {  	_ =	shalt  }
0x51: {  	_ =	shalt  }
0x52: {  	_ =	shalt  }
0x53: {  	_ =	shalt  }
0x54: {  	_ =	shalt  }
0x55: {  	_ =	shalt  }
0x56: {  	_ =	shalt  }
0x57: {  	_ =	shalt  }
0x58: {  	_ =	shalt  }
0x59: {  	_ =	shalt  }
0x5a: {  	_ =	shalt  }
0x5b: {  	_ =	shalt  }
0x5c: {  	_ =	shalt  }
0x5d: {  	_ =	shalt  }
0x5e: {  	_ =	shalt  }
0x5f: {  	_ =	shalt  }
0x60: {  	_ =	shalt  }
0x61: {  	_ =	shalt  }
0x62: {  	_ =	shalt  }
0x63: {  	_ =	shalt  }
0x64: {  	_ =	shalt  }
0x65: {  	_ =	shalt  }
0x66: {  	_ =	shalt  }
0x67: {  	_ =	shalt  }
0x68: {  	_ =	shalt  }
0x69: {  	_ =	shalt  }
0x6a: {  	_ =	shalt  }
0x6b: {  	_ =	shalt  }
0x6c: {  	_ =	shalt  }
0x6d: {  	_ =	shalt  }
0x6e: {  	_ =	shalt  }
0x6f: {  	_ =	shalt  }
0x70: {  	_ =	shalt  }
0x71: {  	_ =	shalt  }
0x72: {  	_ =	shalt  }
0x73: {  	_ =	shalt  }
0x74: {  	_ =	shalt  }
0x75: {  	_ =	shalt  }
0x76: {  	_ =	shalt  }
0x77: {  	_ =	shalt  }
0x78: {  	_ =	shalt  }
0x79: {  	_ =	shalt  }
0x7a: {  	_ =	shalt  }
0x7b: {  	_ =	shalt  }
0x7c: {  	_ =	shalt  }
0x7d: {  	_ =	shalt  }
0x7e: {  	_ =	shalt  }
0x7f: {  	_ =	shalt  }
0x80: {  	_ =	shalt  }
0x81: {  	_ =	shalt  }
0x82: {  	_ =	shalt  }
0x83: {  	_ =	shalt  }
0x84: {  	_ =	shalt  }
0x85: {  	_ =	shalt  }
0x86: {  	_ =	shalt  }
0x87: {  	_ =	shalt  }
.Lfunc_end0:
.L_simem_size_0:
called_computation_lowered:
.L_overlay_start_0:
0x88: {  	s2 =	sld [smem:$0x3FD9]  }
0x89: {  	s3 =	sld [smem:$0x3FFE];
	_ =	sdelay $0x1  }
0x8a: {  	s1 =	srdreg.scid  }
0x8b: {  	s0 =	sand.u32 $0x1, s1  }
0x8c: {  	s18 =	sshll.u32 s0, $0xA;
	s2 =	sadd.s32 s3, s2  }
0x8d: {  	s2 =	sadd.s32 s2, s18  }
0x8e: {  	[smem:$0x3FC6] =	sst s2  }
0x8f: {  	_ = 	snop  }
0x90: {  	s2 =	sld [smem:$0x3FC9]  }
0x91: {  	s19 =	sld [smem:$0x3FC8]  }
0x92: {  	s4 =	sld [smem:$0x3FD0];
	(tm) =	ssettm $0x1  }
0x93: {  	s5 =	sld [smem:$0x3FFB];
	_ =	sdelay $0x3  }
0x94: {  	_ =	strace s5  }
0x95: {  	s5 =	sld [smem:$0x3FFC];
	_ =	sdelay $0x3  }
0x96: {  	_ =	strace s5  }
0x97: {  	s5 =	sld [smem:$0x3FFD];
	_ =	sdelay $0x3  }
0x98: {  	_ =	strace s5  }
0x99: {  	_ =	strace $0x8FFFFFFF  }
0x9a: {  	s20 =	sld [smem:$0x3FDB];
	_ =	sdelay $0x1  }
0x9b: {  	s6 =	simm.s32 $_scs_section_size  }
0x9c: {  	s7 =	simm.s32 $_size__tile_overlayer_lowered;
	s8 =	simm.s32 $_tile_overlayer_lowered  }
0x9d: {  	s23 =	simm.s32 $0x1BFF;
	s22 =	sshll.u32 s8, $0x1;
	s5 =	sadd.s32 s6, s20  }
0x9e: {  	s9 =	simm.s32 $0x0;
	s21 =	sshll.u32 s7, $0x1;
	s7 =	sadd.s32 s22, s5  }
0x9f: {  	[timem:s9], [sflag:s23] =	dma.local [hbm:s7], s21  }
0xa0: {  	_ =	swait.ge [sflag:s23], s21  }
0xa1: {  	s6 =	ssub.s32 $0x0, s21;
	[sflag:s23] =	ssyncset.done $0x0  }
0xa2: {  	[sflag:s23] =	ssyncadd.s32 s6;
	_ =	sdelay $0x1  }
0xa3: {  	s24 =	simm.s32 $0x1B8B  }
0xa4: {  	_ =	swait.ge [sflag:s24], $0x1  }
0xa5: {  	[sflag:s24] =	ssyncset.done $0x0  }
0xa6: {  	s25 =	simm.s32 $0x1B8E;
	[sflag:s24] =	ssyncadd.s32 $0xFFFFFFFF  }
0xa7: {  	s26 =	simm.s32 $execute0_lowered;
	[smem:$0x3FD2] =	sst s25  }
0xa8: {  	s6 =	sshll.u32 s26, $0x1;
	_ =	strace $0x80000046;
	[dreg:$0x1] =	wrdreg $0xFFFFFFFF  }
0xa9: {  	s28 =	simm.s32 $_size_execute0_lowered;
	s5 =	sadd.s32 s5, s6;
	[dreg:$0x0] =	wrdreg $0x0  }
0xaa: {  	s6 =	sshll.u32 s28, $0x1;
	[dreg:$0x2] =	wrdreg s5  }
0xab: {  	[dreg:$0x3] =	wrdreg s6  }
0xac: {  	[dreg:$0x4] =	wrdreg $0xC0  }
0xad: {  	_ =	task [dreg:s9], $0x5FFFF  }
0xae: {  	[dreg:$0x1] =	wrdreg $0xFFFFFFFF  }
0xaf: {  	[dreg:$0x0] =	wrdreg $0x60  }
0xb0: {  	[dreg:$0x2] =	wrdreg s2  }
0xb1: {  	[dreg:$0x3] =	wrdreg s19  }
0xb2: {  	[dreg:$0x4] =	wrdreg s4  }
0xb3: {  	[dreg:$0x5] =	wrdreg $0x104000  }
0xb4: {  	[dreg:$0x6] =	wrdreg $0x9  }
0xb5: {  	_ =	task.clear_ibuf [dreg:s9], $0x7FFFF;
	_ =	strace $0x90000046  }
0xb6: {  	s29 =	simm.s32 $0x9;
	_ =	strace $0x80000048  }
0xb7: {  	_ =	swait.ge [sflag:s29], $0x1  }
0xb8: {  	[sflag:s29] =	ssyncadd.s32 $0xFFFFFFFF  }
0xb9: {  	_ =	strace $0x90000048  }
0xba: {  	_ =	sfence  }
0xbb: {  	s30 =	sld [smem:$0x0];
	_ =	sdelay $0x2  }
0xbc: {  	s31 =	sshll.u32 s1, $0xD;
	s1 =	sshrl.u32 s1, $0x2  }
0xbd: {  	s3 =	sand.u32 $0x4000, s31;
	s1 =	sadd.s32 s1, s30  }
0xbe: {  	s0 =	sor.u32 s3, s0;
	s1 =	sshll.u32 s1, $0x11  }
0xbf: {  	s0 =	sor.u32 s1, s0  }
0xc0: {  	s0 =	sadd.s32 $0x8F2B, s0  }
0xc1: {  	[sflag:s0] =	ssyncadd.remote.s32 $0x1  }
0xc2: {  	_ =	sfence.sel $0xFFFF  }
0xc3: {  	[dreg:$0x0] =	wrdreg $0xFFFFFFFF;
	(pc) =	sbr.abs _section_cstart, $3  }
0xc4: {  	[dreg:$0x1] =	wrdreg $0xFFFFFFFF  }
0xc5: {  	_ =	task.clear_ibuf [dreg:s9], $0x2FFFF;
	_ =	strace $0x9FFFFFFF  }
0xc6: {  	(tm) =	ssettm $0x7FFFFFFF  }
0xc7: {  	_ =	shalt  }
tec
execute0_lowered:
.L_overlay_start_1:
0x0: {  	(tag) =	ssettag $0x1  }
0x1: {  	s3 =	rddreg [dreg:$0x0]  }
0x2: {  	s1 =	rddreg [dreg:$0x1]  }
0x3: {  	s4 =	rddreg [dreg:$0x2]  }
0x4: {  	s13 =	rddreg [dreg:$0x3]  }
0x5: {  	s0 =	rddreg [dreg:$0x4];
	s2 =	simm.s32 $0x0;
	s5 =	srdreg.scid  }
0x6: {  	s10 =	stileid.u32;
	s14 =	simm.s32 $0x20;
	s15 =	simm.s32 $0x200  }
0x7: {  	s16 =	simm.s32 $0x1;
	s17 =	simm.s32 $0x1000;
	s18 =	simm.s32 $0x2000  }
0x8: {  	s19 =	simm.s32 $0x8400;
	s20 =	simm.s32 $0x2;
	s21 =	simm.s32 $0x0  }
0x9: {  	[smem:$0x7FF] =	sst s2;
	s5 =	sand.u32 $0x1, s5;
	s7 =	sshll.u32 s10, $0x1  }
0xa: {  	s31 =	sshll.u32 s10, $0x8;
	p0 =	sne.s32 s10, $0x0;
	s12 =	sshll.u32 s10, $0x6  }
0xb: {  	s10 =	simm.s32 $0x400;
	_ =	strace $0x80000047;
	s6 =	ssub.s32 $0x2, s5  }
0xc: {  	s5 =	sor.u32 s5, s7;
	s7 =	sand.u32 $0xE00, s31;
	s11 =	sshrl.u32 @!p0 s13, $0x3  }
0xd: {  	s12 =	sor.u32 $0x1C02, s12;
	s13 =	sshrl.u32 s13, $0x3;
	s8 =	sshrl.u32 s6, $0x1  }
0xe: {  	s9 =	sshll.u32 s5, $0x5;
	s5 =	sshll.u32 s5, $0xE;
	s7 =	sadd.s32 s3, s7  }
0xf: {  	s9 =	sand.u32 $0x60, s9;
	s3 =	sadd.s32 s4, s5;
	s8 =	ssub.s32 s6, s8  }
0x10: {  	s4 =	sadd.s32 s9, s7;
	s5 =	sadd.s32 $0x200, s3;
	s6 =	sadd.s32 $0x2200, s3  }
0x11: {  	s7 =	sadd.s32 $0x2000, s3;
	s8 =	smax.u32 s8, $0x1;
	s9 =	simm.s32 $0x100  }
.LBB2_1:
0x12: {  	[tilespmem:s2], [sflag:$0x1] =	stream.strided.gather [hbm4b:s4+s9], $0x400, s10, s9, $0x38;
	[tilespmem:$0x10C00] =	vst v63  }
0x13: {  	s22 =	simm.s32 @!p0 $0x1C03  }
0x14: {  	[spmem:s11], [sflag:s22] =	dma.local @!p0 [hbm:s1], $0x1000  }
0x15: {  	s22 =	simm.s32 @!p0 $0x3  }
0x16: {  	_ =	swait.ge @!p0 [sflag:s22], $0x1000  }
0x17: {  	[sflag:s22] =	ssyncset.done @!p0 $0x0  }
0x18: {  	[sflag:s22] =	ssyncadd.s32 @!p0 $0xFFFFF000  }
0x19: {  	[bflag:$0x0] =	sbarrier.arrive $0xFFFF  }
0x1a: {  	[hbm:s5@s10], [sflag:s12] =	dma.strided [spmem:s13@s15], $0x1000, s14, $0x10   }
0x1b: {  	[hbm:s6@s10], [sflag:s12] =	dma.strided [spmem:s13@s15], $0x1000, s14, $0x10   }
0x1c: {  	_ =	swait.ge [sflag:s16], $0x400  }
0x1d: {  	[sflag:s16] =	ssyncset.done $0x0  }
0x1e: {  	[sflag:s16] =	ssyncadd.s32 $0xFFFFFC00  }
0x1f: {  	v0 =	vld [tilespmem:$0x0]  }
0x20: {  	v1 =	vld [tilespmem:$0x10]  }
0x21: {  	v2 =	vld [tilespmem:$0x20]  }
0x22: {  	v3 =	vld [tilespmem:$0x30]  }
0x23: {  	v4 =	vld [tilespmem:$0x40]  }
0x24: {  	v5 =	vld [tilespmem:$0x50]  }
0x25: {  	v6 =	vld [tilespmem:$0x60]  }
0x26: {  	v7 =	vld [tilespmem:$0x70]  }
0x27: {  	v8 =	vld [tilespmem:$0x100]  }
0x28: {  	v9 =	vld [tilespmem:$0x110]  }
0x29: {  	v10 =	vld [tilespmem:$0x120]  }
0x2a: {  	v11 =	vld [tilespmem:$0x130]  }
0x2b: {  	v12 =	vld [tilespmem:$0x140]  }
0x2c: {  	v13 =	vld [tilespmem:$0x150]  }
0x2d: {  	v14 =	vld [tilespmem:$0x160]  }
0x2e: {  	v15 =	vld [tilespmem:$0x170]  }
0x2f: {  	v16 =	vld [tilespmem:$0x200]  }
0x30: {  	v17 =	vld [tilespmem:$0x210]  }
0x31: {  	v18 =	vld [tilespmem:$0x220]  }
0x32: {  	v19 =	vld [tilespmem:$0x230]  }
0x33: {  	v20 =	vld [tilespmem:$0x240]  }
0x34: {  	v21 =	vld [tilespmem:$0x250]  }
0x35: {  	v22 =	vld [tilespmem:$0x260]  }
0x36: {  	v23 =	vld [tilespmem:$0x270]  }
0x37: {  	v24 =	vld [tilespmem:$0x300]  }
0x38: {  	v25 =	vld [tilespmem:$0x310]  }
0x39: {  	v31 =	vld [tilespmem:$0x370]  }
0x3a: {  	v26 =	vld [tilespmem:$0x320]  }
0x3b: {  	v27 =	vld [tilespmem:$0x330]  }
0x3c: {  	s31 =	sand.u32 $0x7000, s2;
	s23 =	sand.u32 $0x380, s2;
	v28 =	vld [tilespmem:$0x340]  }
0x3d: {  	s22 =	sor.u32 s23, s31;
	v29 =	vld [tilespmem:$0x350]  }
0x3e: {  	v30 =	vld [tilespmem:$0x360];
	[tilespmem:s22+$0x1070] =	vst v31  }
0x3f: {  	[tilespmem:s22+$0x400] =	vst v0  }
0x40: {  	[tilespmem:s22+$0x410] =	vst v1  }
0x41: {  	[tilespmem:s22+$0x420] =	vst v2  }
0x42: {  	[tilespmem:s22+$0x430] =	vst v3  }
0x43: {  	[tilespmem:s22+$0x440] =	vst v4  }
0x44: {  	[tilespmem:s22+$0x450] =	vst v5  }
0x45: {  	[tilespmem:s22+$0x460] =	vst v6  }
0x46: {  	[tilespmem:s22+$0x470] =	vst v7  }
0x47: {  	[tilespmem:s22+$0x800] =	vst v8  }
0x48: {  	[tilespmem:s22+$0x810] =	vst v9  }
0x49: {  	[tilespmem:s22+$0x820] =	vst v10  }
0x4a: {  	[tilespmem:s22+$0x830] =	vst v11  }
0x4b: {  	[tilespmem:s22+$0x840] =	vst v12  }
0x4c: {  	[tilespmem:s22+$0x850] =	vst v13  }
0x4d: {  	[tilespmem:s22+$0x860] =	vst v14  }
0x4e: {  	[tilespmem:s22+$0x870] =	vst v15  }
0x4f: {  	[tilespmem:s22+$0xC00] =	vst v16  }
0x50: {  	[tilespmem:s22+$0xC10] =	vst v17  }
0x51: {  	[tilespmem:s22+$0xC20] =	vst v18  }
0x52: {  	[tilespmem:s22+$0xC30] =	vst v19  }
0x53: {  	[tilespmem:s22+$0xC40] =	vst v20  }
0x54: {  	[tilespmem:s22+$0xC50] =	vst v21  }
0x55: {  	[tilespmem:s22+$0xC60] =	vst v22  }
0x56: {  	[tilespmem:s22+$0xC70] =	vst v23  }
0x57: {  	[tilespmem:s22+$0x1000] =	vst v24  }
0x58: {  	[tilespmem:s22+$0x1010] =	vst v25  }
0x59: {  	[tilespmem:s22+$0x1020] =	vst v26  }
0x5a: {  	[tilespmem:s22+$0x1030] =	vst v27  }
0x5b: {  	s24 =	simm.s32 $0x200;
	s23 =	simm.s32 $0x80;
	[tilespmem:s22+$0x1040] =	vst v28  }
0x5c: {  	s25 =	sand.u32 $0x7000, s24;
	s24 =	simm.s32 $0x400;
	s26 =	sand.u32 $0x380, s23;
	[tilespmem:s22+$0x1050] =	vst v29  }
.LBB2_2:
0x5d: {  	p1 =	sne.s32 s24, $0x7E00;
	[tilespmem:s22+$0x1060] =	vst v30;
	s22 =	sor.u32 s26, s25  }
0x5e: {  	[tilespmem:s22+$0x1070] =	vst v31  }
0x5f: {  	[tilespmem:s22+$0x400] =	vst v0  }
0x60: {  	[tilespmem:s22+$0x410] =	vst v1  }
0x61: {  	[tilespmem:s22+$0x420] =	vst v2  }
0x62: {  	[tilespmem:s22+$0x430] =	vst v3  }
0x63: {  	[tilespmem:s22+$0x440] =	vst v4  }
0x64: {  	[tilespmem:s22+$0x450] =	vst v5  }
0x65: {  	[tilespmem:s22+$0x460] =	vst v6  }
0x66: {  	[tilespmem:s22+$0x470] =	vst v7  }
0x67: {  	[tilespmem:s22+$0x800] =	vst v8  }
0x68: {  	[tilespmem:s22+$0x810] =	vst v9  }
0x69: {  	[tilespmem:s22+$0x820] =	vst v10  }
0x6a: {  	[tilespmem:s22+$0x830] =	vst v11  }
0x6b: {  	[tilespmem:s22+$0x840] =	vst v12  }
0x6c: {  	[tilespmem:s22+$0x850] =	vst v13  }
0x6d: {  	[tilespmem:s22+$0x860] =	vst v14  }
0x6e: {  	[tilespmem:s22+$0x870] =	vst v15  }
0x6f: {  	[tilespmem:s22+$0xC00] =	vst v16  }
0x70: {  	[tilespmem:s22+$0xC10] =	vst v17  }
0x71: {  	[tilespmem:s22+$0xC20] =	vst v18  }
0x72: {  	[tilespmem:s22+$0xC30] =	vst v19  }
0x73: {  	[tilespmem:s22+$0xC40] =	vst v20  }
0x74: {  	[tilespmem:s22+$0xC50] =	vst v21  }
0x75: {  	[tilespmem:s22+$0xC60] =	vst v22  }
0x76: {  	[tilespmem:s22+$0xC70] =	vst v23  }
0x77: {  	[tilespmem:s22+$0x1000] =	vst v24  }
.Ltmp0:
0x78: {  	[tilespmem:s22+$0x1010] =	vst v25;
	(pc) =	sbr.rel @p1 .LBB2_2-.Ltmp0, $4  }
0x79: {  	[tilespmem:s22+$0x1020] =	vst v26  }
0x7a: {  	[tilespmem:s22+$0x1030] =	vst v27  }
0x7b: {  	s23 =	sadd.s32 $0x80, s23;
	[tilespmem:s22+$0x1040] =	vst v28  }
0x7c: {  	s25 =	sand.u32 $0x7000, s24;
	s24 =	sadd.s32 $0x200, s24;
	s26 =	sand.u32 $0x380, s23;
	[tilespmem:s22+$0x1050] =	vst v29  }
0x7d: {  	s23 =	sor.u32 s26, s25;
	[tilespmem:s22+$0x1060] =	vst v30  }
0x7e: {  	[tilespmem:s23+$0x1070] =	vst v31  }
0x7f: {  	[tilespmem:s23+$0x400] =	vst v0  }
0x80: {  	[tilespmem:s23+$0x410] =	vst v1  }
0x81: {  	[tilespmem:s23+$0x420] =	vst v2  }
0x82: {  	[tilespmem:s23+$0x430] =	vst v3  }
0x83: {  	[tilespmem:s23+$0x440] =	vst v4  }
0x84: {  	[tilespmem:s23+$0x450] =	vst v5  }
0x85: {  	[tilespmem:s23+$0x460] =	vst v6  }
0x86: {  	[tilespmem:s23+$0x470] =	vst v7  }
0x87: {  	[tilespmem:s23+$0x800] =	vst v8  }
0x88: {  	[tilespmem:s23+$0x810] =	vst v9  }
0x89: {  	[tilespmem:s23+$0x820] =	vst v10  }
0x8a: {  	[tilespmem:s23+$0x830] =	vst v11  }
0x8b: {  	[tilespmem:s23+$0x840] =	vst v12  }
0x8c: {  	[tilespmem:s23+$0x850] =	vst v13  }
0x8d: {  	[tilespmem:s23+$0x860] =	vst v14  }
0x8e: {  	[tilespmem:s23+$0x870] =	vst v15  }
0x8f: {  	[tilespmem:s23+$0xC00] =	vst v16  }
0x90: {  	[tilespmem:s23+$0xC10] =	vst v17  }
0x91: {  	[tilespmem:s23+$0xC20] =	vst v18  }
0x92: {  	[tilespmem:s23+$0xC30] =	vst v19  }
0x93: {  	[tilespmem:s23+$0xC40] =	vst v20  }
0x94: {  	[tilespmem:s23+$0xC50] =	vst v21  }
0x95: {  	[tilespmem:s23+$0xC60] =	vst v22  }
0x96: {  	[tilespmem:s23+$0xC70] =	vst v23  }
0x97: {  	[tilespmem:s23+$0x1000] =	vst v24  }
0x98: {  	[tilespmem:s23+$0x1010] =	vst v25  }
0x99: {  	[tilespmem:s23+$0x1020] =	vst v26  }
0x9a: {  	[tilespmem:s23+$0x1030] =	vst v27  }
0x9b: {  	[tilespmem:s23+$0x1040] =	vst v28  }
0x9c: {  	[tilespmem:s23+$0x1050] =	vst v29  }
0x9d: {  	[tilespmem:s23+$0x1060] =	vst v30  }
0x9e: {  	[hbm4b:s3+s17] =	stream.strided.scatter [tilespmem:s10], [sflag:$0x2], $0x8000, s18, s17, $0x38;
	[tilespmem:$0x10C00] =	vst v63  }
0x9f: {  	v0 =	vld [tilespmem:$0x80]  }
0xa0: {  	v1 =	vld [tilespmem:$0x90]  }
0xa1: {  	v2 =	vld [tilespmem:$0xA0]  }
0xa2: {  	v3 =	vld [tilespmem:$0xB0]  }
0xa3: {  	v4 =	vld [tilespmem:$0xC0]  }
0xa4: {  	v5 =	vld [tilespmem:$0xD0]  }
0xa5: {  	v6 =	vld [tilespmem:$0xE0]  }
0xa6: {  	v7 =	vld [tilespmem:$0xF0]  }
0xa7: {  	v8 =	vld [tilespmem:$0x180]  }
0xa8: {  	v9 =	vld [tilespmem:$0x190]  }
0xa9: {  	v10 =	vld [tilespmem:$0x1A0]  }
0xaa: {  	v11 =	vld [tilespmem:$0x1B0]  }
0xab: {  	v12 =	vld [tilespmem:$0x1C0]  }
0xac: {  	v13 =	vld [tilespmem:$0x1D0]  }
0xad: {  	v14 =	vld [tilespmem:$0x1E0]  }
0xae: {  	v15 =	vld [tilespmem:$0x1F0]  }
0xaf: {  	v16 =	vld [tilespmem:$0x280]  }
0xb0: {  	v17 =	vld [tilespmem:$0x290]  }
0xb1: {  	v18 =	vld [tilespmem:$0x2A0]  }
0xb2: {  	v19 =	vld [tilespmem:$0x2B0]  }
0xb3: {  	v20 =	vld [tilespmem:$0x2C0]  }
0xb4: {  	v21 =	vld [tilespmem:$0x2D0]  }
0xb5: {  	v22 =	vld [tilespmem:$0x2E0]  }
0xb6: {  	v23 =	vld [tilespmem:$0x2F0]  }
0xb7: {  	v24 =	vld [tilespmem:$0x380]  }
0xb8: {  	v25 =	vld [tilespmem:$0x390]  }
0xb9: {  	v31 =	vld [tilespmem:$0x3F0]  }
0xba: {  	v26 =	vld [tilespmem:$0x3A0]  }
0xbb: {  	s30 =	simm.s32 $0x0;
	v27 =	vld [tilespmem:$0x3B0]  }
0xbc: {  	s31 =	sand.u32 $0x7000, s30;
	s22 =	sand.u32 $0x380, s30;
	v28 =	vld [tilespmem:$0x3C0]  }
0xbd: {  	s22 =	sor.u32 s22, s31;
	v29 =	vld [tilespmem:$0x3D0]  }
0xbe: {  	v30 =	vld [tilespmem:$0x3E0];
	[tilespmem:s22+$0x9070] =	vst v31  }
0xbf: {  	[tilespmem:s22+$0x8400] =	vst v0  }
0xc0: {  	[tilespmem:s22+$0x8410] =	vst v1  }
0xc1: {  	[tilespmem:s22+$0x8420] =	vst v2  }
0xc2: {  	[tilespmem:s22+$0x8430] =	vst v3  }
0xc3: {  	[tilespmem:s22+$0x8440] =	vst v4  }
0xc4: {  	[tilespmem:s22+$0x8450] =	vst v5  }
0xc5: {  	[tilespmem:s22+$0x8460] =	vst v6  }
0xc6: {  	[tilespmem:s22+$0x8470] =	vst v7  }
0xc7: {  	[tilespmem:s22+$0x8800] =	vst v8  }
0xc8: {  	[tilespmem:s22+$0x8810] =	vst v9  }
0xc9: {  	[tilespmem:s22+$0x8820] =	vst v10  }
0xca: {  	[tilespmem:s22+$0x8830] =	vst v11  }
0xcb: {  	[tilespmem:s22+$0x8840] =	vst v12  }
0xcc: {  	[tilespmem:s22+$0x8850] =	vst v13  }
0xcd: {  	[tilespmem:s22+$0x8860] =	vst v14  }
0xce: {  	[tilespmem:s22+$0x8870] =	vst v15  }
0xcf: {  	[tilespmem:s22+$0x8C00] =	vst v16  }
0xd0: {  	[tilespmem:s22+$0x8C10] =	vst v17  }
0xd1: {  	[tilespmem:s22+$0x8C20] =	vst v18  }
0xd2: {  	[tilespmem:s22+$0x8C30] =	vst v19  }
0xd3: {  	[tilespmem:s22+$0x8C40] =	vst v20  }
0xd4: {  	[tilespmem:s22+$0x8C50] =	vst v21  }
0xd5: {  	[tilespmem:s22+$0x8C60] =	vst v22  }
0xd6: {  	[tilespmem:s22+$0x8C70] =	vst v23  }
0xd7: {  	[tilespmem:s22+$0x9000] =	vst v24  }
0xd8: {  	[tilespmem:s22+$0x9010] =	vst v25  }
0xd9: {  	[tilespmem:s22+$0x9020] =	vst v26  }
0xda: {  	[tilespmem:s22+$0x9030] =	vst v27  }
0xdb: {  	s24 =	simm.s32 $0x200;
	s23 =	simm.s32 $0x80;
	[tilespmem:s22+$0x9040] =	vst v28  }
0xdc: {  	s25 =	sand.u32 $0x7000, s24;
	s24 =	simm.s32 $0x400;
	s26 =	sand.u32 $0x380, s23;
	[tilespmem:s22+$0x9050] =	vst v29  }
.LBB2_4:
0xdd: {  	p1 =	sne.s32 s24, $0x7E00;
	[tilespmem:s22+$0x9060] =	vst v30;
	s22 =	sor.u32 s26, s25  }
0xde: {  	[tilespmem:s22+$0x9070] =	vst v31  }
0xdf: {  	[tilespmem:s22+$0x8400] =	vst v0  }
0xe0: {  	[tilespmem:s22+$0x8410] =	vst v1  }
0xe1: {  	[tilespmem:s22+$0x8420] =	vst v2  }
0xe2: {  	[tilespmem:s22+$0x8430] =	vst v3  }
0xe3: {  	[tilespmem:s22+$0x8440] =	vst v4  }
0xe4: {  	[tilespmem:s22+$0x8450] =	vst v5  }
0xe5: {  	[tilespmem:s22+$0x8460] =	vst v6  }
0xe6: {  	[tilespmem:s22+$0x8470] =	vst v7  }
0xe7: {  	[tilespmem:s22+$0x8800] =	vst v8  }
0xe8: {  	[tilespmem:s22+$0x8810] =	vst v9  }
0xe9: {  	[tilespmem:s22+$0x8820] =	vst v10  }
0xea: {  	[tilespmem:s22+$0x8830] =	vst v11  }
0xeb: {  	[tilespmem:s22+$0x8840] =	vst v12  }
0xec: {  	[tilespmem:s22+$0x8850] =	vst v13  }
0xed: {  	[tilespmem:s22+$0x8860] =	vst v14  }
0xee: {  	[tilespmem:s22+$0x8870] =	vst v15  }
0xef: {  	[tilespmem:s22+$0x8C00] =	vst v16  }
0xf0: {  	[tilespmem:s22+$0x8C10] =	vst v17  }
0xf1: {  	[tilespmem:s22+$0x8C20] =	vst v18  }
0xf2: {  	[tilespmem:s22+$0x8C30] =	vst v19  }
0xf3: {  	[tilespmem:s22+$0x8C40] =	vst v20  }
0xf4: {  	[tilespmem:s22+$0x8C50] =	vst v21  }
0xf5: {  	[tilespmem:s22+$0x8C60] =	vst v22  }
0xf6: {  	[tilespmem:s22+$0x8C70] =	vst v23  }
0xf7: {  	[tilespmem:s22+$0x9000] =	vst v24  }
.Ltmp1:
0xf8: {  	[tilespmem:s22+$0x9010] =	vst v25;
	(pc) =	sbr.rel @p1 .LBB2_4-.Ltmp1, $4  }
0xf9: {  	[tilespmem:s22+$0x9020] =	vst v26  }
0xfa: {  	[tilespmem:s22+$0x9030] =	vst v27  }
0xfb: {  	s23 =	sadd.s32 $0x80, s23;
	[tilespmem:s22+$0x9040] =	vst v28  }
0xfc: {  	s25 =	sand.u32 $0x7000, s24;
	s24 =	sadd.s32 $0x200, s24;
	s26 =	sand.u32 $0x380, s23;
	[tilespmem:s22+$0x9050] =	vst v29  }
0xfd: {  	s23 =	sor.u32 s26, s25;
	[tilespmem:s22+$0x9060] =	vst v30  }
0xfe: {  	[tilespmem:s23+$0x9070] =	vst v31  }
0xff: {  	[tilespmem:s23+$0x8400] =	vst v0  }
0x100: {  	[tilespmem:s23+$0x8410] =	vst v1  }
0x101: {  	[tilespmem:s23+$0x8420] =	vst v2  }
0x102: {  	[tilespmem:s23+$0x8430] =	vst v3  }
0x103: {  	[tilespmem:s23+$0x8440] =	vst v4  }
0x104: {  	[tilespmem:s23+$0x8450] =	vst v5  }
0x105: {  	[tilespmem:s23+$0x8460] =	vst v6  }
0x106: {  	[tilespmem:s23+$0x8470] =	vst v7  }
0x107: {  	[tilespmem:s23+$0x8800] =	vst v8  }
0x108: {  	[tilespmem:s23+$0x8810] =	vst v9  }
0x109: {  	[tilespmem:s23+$0x8820] =	vst v10  }
0x10a: {  	[tilespmem:s23+$0x8830] =	vst v11  }
0x10b: {  	[tilespmem:s23+$0x8840] =	vst v12  }
0x10c: {  	[tilespmem:s23+$0x8850] =	vst v13  }
0x10d: {  	[tilespmem:s23+$0x8860] =	vst v14  }
0x10e: {  	[tilespmem:s23+$0x8870] =	vst v15  }
0x10f: {  	[tilespmem:s23+$0x8C00] =	vst v16  }
0x110: {  	[tilespmem:s23+$0x8C10] =	vst v17  }
0x111: {  	[tilespmem:s23+$0x8C20] =	vst v18  }
0x112: {  	[tilespmem:s23+$0x8C30] =	vst v19  }
0x113: {  	[tilespmem:s23+$0x8C40] =	vst v20  }
0x114: {  	[tilespmem:s23+$0x8C50] =	vst v21  }
0x115: {  	[tilespmem:s23+$0x8C60] =	vst v22  }
0x116: {  	[tilespmem:s23+$0x8C70] =	vst v23  }
0x117: {  	[tilespmem:s23+$0x9000] =	vst v24  }
0x118: {  	[tilespmem:s23+$0x9010] =	vst v25  }
0x119: {  	[tilespmem:s23+$0x9020] =	vst v26  }
0x11a: {  	[tilespmem:s23+$0x9030] =	vst v27  }
0x11b: {  	[tilespmem:s23+$0x9040] =	vst v28  }
0x11c: {  	[tilespmem:s23+$0x9050] =	vst v29  }
0x11d: {  	[tilespmem:s23+$0x9060] =	vst v30  }
0x11e: {  	[hbm4b:s7+s17] =	stream.strided.scatter [tilespmem:s19], [sflag:$0x2], $0x8000, s18, s17, $0x38;
	[tilespmem:$0x10C00] =	vst v63  }
0x11f: {  	_ =	swait.ge [sflag:s20], $0x1000  }
0x120: {  	[sflag:s20] =	ssyncset.done $0x0  }
0x121: {  	[sflag:s20] =	ssyncadd.s32 $0xFFFFF000  }
0x122: {  	_ =	swait.ge [sflag:s20], $0x1000  }
0x123: {  	[sflag:s20] =	ssyncset.done $0x0  }
0x124: {  	s21 =	sadd.s32 $0x1, s21;
	[sflag:s20] =	ssyncadd.s32 $0xFFFFF000  }
0x125: {  	p1 =	sne.s32 s21, s8;
	_ =	swait.ge [sflag:s20], $0x8000  }
.Ltmp2:
0x126: {  	[sflag:s20] =	ssyncset.done $0x0;
	(pc) =	sbr.rel @p1 .LBB2_1-.Ltmp2, $4  }
0x127: {  	[sflag:s20] =	ssyncadd.s32 $0xFFFF8000  }
0x128: {  	_ =	swait.ge [sflag:s20], $0x8000  }
0x129: {  	[sflag:s20] =	ssyncset.done $0x0  }
0x12a: {  	[sflag:s20] =	ssyncadd.s32 $0xFFFF8000  }
0x12b: {  	_ =	sfence.sel $0x180000  }
0x12c: {  	[bflag:$0x0] =	sbarrier.arrive $0xFFFF  }
0x12d: {  	_ =	strace $0x90000047  }
0x12e: {  	s0 =	sadd.s32 @!p0 $0x100000, s0;
	[bflag:$0x2] =	sbarrier.arrive $0xFFFF  }
0x12f: {  	[sflag:s0] =	ssyncadd.tile.s32 @!p0 $0x1;
	_ =	shalt  }
.Lfunc_end2:
_tile_overlayer_lowered:
.L_overlay_start_2:
0x130: {  	(tag) =	ssettag $0x2  }
0x131: {  	s0 =	rddreg [dreg:$0x0];
	s2 =	stileid.u32  }
0x132: {  	s1 =	rddreg [dreg:$0x1];
	p0 =	sne.s32 s2, $0x0  }
0x133: {  	s3 =	rddreg [dreg:$0x2];
	[bflag:$0x3] =	sbarrier.arrive $0xFFFF;
	s2 =	simm.s32 @!p0 $0x1C03  }
0x134: {  	[timem:s3], [sflag:s2] =	dma.local @!p0 [hbm:s0], s1  }
0x135: {  	s0 =	simm.s32 @!p0 $0x3  }
0x136: {  	_ =	swait.ge @!p0 [sflag:s0], s1  }
0x137: {  	s1 =	ssub.s32 @!p0 $0x0, s1;
	[sflag:s0] =	ssyncset.done @!p0 $0x0  }
0x138: {  	[sflag:s0] =	ssyncadd.s32 @!p0 s1  }
0x139: {  	[bflag:$0x3] =	sbarrier.arrive $0xFFFF  }
0x13a: {  	_ =	shalt  }

</sc_bundles>
